<compile_context>
chip_gen: v7x
topology: tpu7x:2x2x1
jax: 0.10.2.dev20260603
libtpu: 0.0.44.dev20260713+nightly
codegen_flags: <defaults>
</compile_context>

<pallas_src>
import functools

import jax
import jax.numpy as jnp
from jax import lax
from jax.experimental import pallas as pl
from jax.experimental.pallas import tpu as pltpu
from jax.experimental.pallas import tpu_sc as plsc

N = 10000
E = 320000
C = 128
NET = 7
NSEG = N * NET
NSEG_PAD = 70016
NC = 2
NS = 16
NW = NC * NS
EPT = E // NW
CH = 128
NFULL = EPT // CH
TAIL = EPT - NFULL * CH
ZPT = NSEG_PAD // NS
NPAD = 10240
ROWS_PT = NPAD // NS
EPS = 1e-5

_MESH = plsc.VectorSubcoreMesh(
    core_axis_name="c", subcore_axis_name="s", num_cores=NC, num_subcores=NS
)


def _counts_body(erow_hbm, etype_hbm, out_hbm,
                 rowb, typeb, segb, rowb_t, typeb_t, segb_t, ones, zbuf, hist):
    c = lax.axis_index("c")
    s = lax.axis_index("s")
    w = c * NS + s

    def _zinit(i, _):
        zbuf[pl.ds(i * 16, 16)] = jnp.zeros((16,), jnp.float32)
        return 0
    lax.fori_loop(0, (ZPT + 8) // 16, _zinit, 0)
    for i in range(CH // 16):
        ones[pl.ds(i * 16, 16)] = jnp.ones((16,), jnp.float32)
    pltpu.sync_copy(zbuf.at[pl.ds(0, ZPT)], hist.at[pl.ds(s * ZPT, ZPT)])
    plsc.subcore_barrier()

    def _chunk(g, _):
        base = w * EPT + g * CH
        pltpu.sync_copy(erow_hbm.at[pl.ds(base, CH)], rowb)
        pltpu.sync_copy(etype_hbm.at[pl.ds(base, CH)], typeb)
        for i in range(CH // 16):
            sl = pl.ds(i * 16, 16)
            segb[sl] = rowb[sl] * NET + typeb[sl]
        pltpu.sync_copy(ones, hist.at[segb], add=True)
        return 0
    lax.fori_loop(0, NFULL, _chunk, 0)

    base = w * EPT + NFULL * CH
    pltpu.sync_copy(erow_hbm.at[pl.ds(base, TAIL)], rowb_t)
    pltpu.sync_copy(etype_hbm.at[pl.ds(base, TAIL)], typeb_t)
    segb_t[...] = rowb_t[...] * NET + typeb_t[...]
    pltpu.sync_copy(ones.at[pl.ds(0, TAIL)], hist.at[segb_t], add=True)

    plsc.subcore_barrier()
    pltpu.sync_copy(hist.at[pl.ds(s * ZPT, ZPT)], zbuf.at[pl.ds(0, ZPT)])
    pltpu.sync_copy(zbuf.at[pl.ds(0, ZPT)],
                    out_hbm.at[pl.ds(c * NSEG_PAD + s * ZPT, ZPT)])


_SC_PARAMS = pltpu.CompilerParams(needs_layout_passes=False)

_counts = pl.kernel(
    _counts_body,
    compiler_params=_SC_PARAMS,
    out_type=jax.ShapeDtypeStruct((NC * NSEG_PAD,), jnp.float32),
    mesh=_MESH,
    scratch_types=[
        pltpu.VMEM((CH,), jnp.int32),
        pltpu.VMEM((CH,), jnp.int32),
        pltpu.VMEM((CH,), jnp.int32),
        pltpu.VMEM((TAIL,), jnp.int32),
        pltpu.VMEM((TAIL,), jnp.int32),
        pltpu.VMEM((TAIL,), jnp.int32),
        pltpu.VMEM((CH,), jnp.float32),
        pltpu.VMEM((ZPT + 8,), jnp.float32),
        pltpu.VMEM_SHARED((NSEG_PAD,), jnp.float32),
    ],
)


def _scatter_body(z_hbm, inv_hbm, erow_hbm, ecol_hbm, etype_hbm, out_hbm,
                  rowb, colb, typeb, zidx, segb, scaleb,
                  rowb_t, colb_t, typeb_t, zidx_t, segb_t, scaleb_t,
                  gbuf, sem, sem2, acc):
    c = lax.axis_index("c")
    s = lax.axis_index("s")
    w = c * NS + s

    def _zg(i, _):
        for j in range(C // 16):
            gbuf[i, pl.ds(j * 16, 16)] = jnp.zeros((16,), jnp.float32)
        return 0
    lax.fori_loop(0, CH, _zg, 0)
    for k in range(ROWS_PT // CH):
        pltpu.sync_copy(gbuf, acc.at[pl.ds(s * ROWS_PT + k * CH, CH)])
    plsc.subcore_barrier()

    def _chunk(g, _):
        base = w * EPT + g * CH
        pltpu.sync_copy(erow_hbm.at[pl.ds(base, CH)], rowb)
        pltpu.sync_copy(ecol_hbm.at[pl.ds(base, CH)], colb)
        pltpu.sync_copy(etype_hbm.at[pl.ds(base, CH)], typeb)
        for i in range(CH // 16):
            sl = pl.ds(i * 16, 16)
            t = typeb[sl]
            zidx[sl] = colb[sl] * NET + t
            segb[sl] = rowb[sl] * NET + t
        cp1 = pltpu.async_copy(z_hbm.at[zidx], gbuf, sem)
        cp2 = pltpu.async_copy(inv_hbm.at[segb], scaleb.at[pl.ds(0, CH)], sem2)
        cp1.wait()
        cp2.wait()

        def _scale(e, _):
            sc = scaleb[pl.ds(e, 16)][0]
            for j in range(C // 16):
                slj = pl.ds(j * 16, 16)
                gbuf[e, slj] = gbuf[e, slj] * sc
            return 0
        lax.fori_loop(0, CH, _scale, 0)
        pltpu.sync_copy(gbuf, acc.at[rowb], add=True)
        return 0
    lax.fori_loop(0, NFULL, _chunk, 0)

    base = w * EPT + NFULL * CH
    pltpu.sync_copy(erow_hbm.at[pl.ds(base, TAIL)], rowb_t)
    pltpu.sync_copy(ecol_hbm.at[pl.ds(base, TAIL)], colb_t)
    pltpu.sync_copy(etype_hbm.at[pl.ds(base, TAIL)], typeb_t)
    t = typeb_t[...]
    zidx_t[...] = colb_t[...] * NET + t
    segb_t[...] = rowb_t[...] * NET + t
    cp1 = pltpu.async_copy(z_hbm.at[zidx_t], gbuf.at[pl.ds(0, TAIL)], sem)
    cp2 = pltpu.async_copy(inv_hbm.at[segb_t], scaleb_t.at[pl.ds(0, TAIL)], sem2)
    cp1.wait()
    cp2.wait()

    def _scale_t(e, _):
        sc = scaleb_t[pl.ds(e, 16)][0]
        for j in range(C // 16):
            slj = pl.ds(j * 16, 16)
            gbuf[e, slj] = gbuf[e, slj] * sc
        return 0
    lax.fori_loop(0, TAIL, _scale_t, 0)
    pltpu.sync_copy(gbuf.at[pl.ds(0, TAIL)], acc.at[rowb_t], add=True)

    plsc.subcore_barrier()
    for k in range(ROWS_PT // CH):
        off = s * ROWS_PT + k * CH
        pltpu.sync_copy(acc.at[pl.ds(off, CH)], gbuf)
        pltpu.sync_copy(gbuf, out_hbm.at[c, pl.ds(off, CH), :])


_scatter = pl.kernel(
    _scatter_body,
    compiler_params=_SC_PARAMS,
    out_type=jax.ShapeDtypeStruct((NC, NPAD, C), jnp.float32),
    mesh=_MESH,
    scratch_types=[
        pltpu.VMEM((CH,), jnp.int32),
        pltpu.VMEM((CH,), jnp.int32),
        pltpu.VMEM((CH,), jnp.int32),
        pltpu.VMEM((CH,), jnp.int32),
        pltpu.VMEM((CH,), jnp.int32),
        pltpu.VMEM((CH + 16,), jnp.float32),
        pltpu.VMEM((TAIL,), jnp.int32),
        pltpu.VMEM((TAIL,), jnp.int32),
        pltpu.VMEM((TAIL,), jnp.int32),
        pltpu.VMEM((TAIL,), jnp.int32),
        pltpu.VMEM((TAIL,), jnp.int32),
        pltpu.VMEM((TAIL + 16,), jnp.float32),
        pltpu.VMEM((CH, C), jnp.float32),
        pltpu.SemaphoreType.DMA,
        pltpu.SemaphoreType.DMA,
        pltpu.VMEM_SHARED((NPAD, C), jnp.float32),
    ],
)


_BM = 1000


def _mm_body(x_ref, w_ref, z_ref, base_ref):
    xb = x_ref[...]
    zs = [jnp.dot(xb, w_ref[t * C:(t + 1) * C, :],
                  preferred_element_type=jnp.float32) for t in range(NET)]
    z_ref[...] = jnp.concatenate(zs, axis=1)
    base_ref[...] = zs[NET - 1]


_mm = pl.pallas_call(
    _mm_body,
    grid=(N // _BM,),
    in_specs=[pl.BlockSpec((_BM, C), lambda i: (i, 0)),
              pl.BlockSpec((NET * C, C), lambda i: (0, 0))],
    out_specs=[pl.BlockSpec((_BM, NET * C), lambda i: (i, 0)),
               pl.BlockSpec((_BM, C), lambda i: (i, 0))],
    out_shape=[jax.ShapeDtypeStruct((N, NET * C), jnp.float32),
               jax.ShapeDtypeStruct((N, C), jnp.float32)],
)


def _inv_body(cnt_ref, inv_ref):
    ctot = cnt_ref[0] + cnt_ref[1]
    rows = NSEG_PAD // 128
    rr = lax.broadcasted_iota(jnp.int32, (rows, 128), 0)
    cc = lax.broadcasted_iota(jnp.int32, (rows, 128), 1)
    sidx = rr * 128 + cc
    m6 = (sidx % NET) == (NET - 1)
    inv = 1.0 / jnp.maximum(ctot, 1.0)
    inv_ref[...] = jnp.where(m6, 0.0, inv)


_inv = pl.pallas_call(
    _inv_body,
    out_shape=jax.ShapeDtypeStruct((NSEG_PAD // 128, 128), jnp.float32),
)


def _bn_body(base_ref, accs_ref, g_ref, b_ref, y_ref):
    out = base_ref[...] + accs_ref[0] + accs_ref[1]
    mu = jnp.mean(out, axis=0, keepdims=True)
    d = out - mu
    var = jnp.mean(d * d, axis=0, keepdims=True)
    y_ref[...] = d * lax.rsqrt(var + EPS) * g_ref[...] + b_ref[...]


_bn = pl.pallas_call(
    _bn_body,
    grid=(1,),
    in_specs=[pl.BlockSpec((N, C), lambda i: (0, 0)),
              pl.BlockSpec((NC, N, C), lambda i: (0, 0, 0)),
              pl.BlockSpec((1, C), lambda i: (0, 0)),
              pl.BlockSpec((1, C), lambda i: (0, 0))],
    out_specs=pl.BlockSpec((N, C), lambda i: (0, 0)),
    out_shape=jax.ShapeDtypeStruct((N, C), jnp.float32),
)


def kernel(x, W, gamma, beta, edge_idx, edge_type):
    edge_idx = edge_idx.astype(jnp.int32)
    edge_type = edge_type.astype(jnp.int32)
    row, col = edge_idx[0], edge_idx[1]
    cnt = _counts(row, edge_type)
    Zf, base = _mm(x, W)
    inv = _inv(cnt.reshape(NC, NSEG_PAD // 128, 128)).reshape(NSEG_PAD)
    Z = Zf.reshape(N * NET, C)
    accs = _scatter(Z, inv, row, col, edge_type)
    return _bn(base, accs, gamma.reshape(1, C), beta.reshape(1, C))

# --- scband reference (transcript-rebuilt; emitter-appended) ---
"""Pipeline reference for scband-graph-conv-norm-77695958385178 (READ-ONLY COPY).

The authoritative reference and input builder live on the scoring server;
editing this copy changes nothing except your own understanding.
"""

import jax, jax.numpy as jnp
import numpy as np
import math

N = 10000
E = 320000
C_IN = 128
C_OUT = 128
NET = 7  # n_edge_type
AVG_DEGREE = 7
EPS = 1e-5


def setup_inputs(seed: int = 0) -> dict:
    key = jax.random.key(seed)
    k1, k2, k3, k4 = jax.random.split(key, 4)
    x = jax.random.normal(k1, (N, C_IN), dtype=jnp.float32)
    edge_idx = jax.random.randint(k2, (2, E), 0, N)
    edge_type = jax.random.randint(k3, (E,), 0, NET)
    # GraphConv weight init: uniform(-a, a), a = sqrt(3)*sqrt(2/(fan_in+fan_out))
    fan_in = AVG_DEGREE * C_IN
    fan_out = AVG_DEGREE * C_OUT
    std = math.sqrt(2.0 / float(fan_in + fan_out))
    a = math.sqrt(3.0) * std
    W = jax.random.uniform(k4, (NET * C_IN, C_OUT), dtype=jnp.float32, minval=-a, maxval=a)
    # BatchNorm1d affine params
    gamma = jnp.ones((C_OUT,), dtype=jnp.float32)
    beta = jnp.zeros((C_OUT,), dtype=jnp.float32)
    return {"x": x, "W": W, "gamma": gamma, "beta": beta, "edge_idx": edge_idx, "edge_type": edge_type}


def reference(x, W, gamma, beta, edge_idx, edge_type):
    row, col = edge_idx[0], edge_idx[1]
    # scatter_mean of x[col] into (row * n_edge_type + edge_type) segments
    index = row * NET + edge_type
    gathered = x[col]
    summed = jax.ops.segment_sum(gathered, index, num_segments=N * NET)
    counts = jax.ops.segment_sum(jnp.ones((E,), dtype=x.dtype), index, num_segments=N * NET)
    col_data = summed / jnp.maximum(counts, 1.0)[:, None]
    # overwrite the self slot (last edge type) with x itself
    self_idx = jnp.arange(N) * NET + (NET - 1)
    col_data = col_data.at[self_idx].set(x)
    out = col_data.reshape(N, NET * C_IN) @ W
    # BatchNorm1d (training mode: batch statistics, biased variance)
    mu = jnp.mean(out, axis=0)
    var = jnp.var(out, axis=0)
    y = (out - mu) / jnp.sqrt(var + EPS) * gamma + beta
    return y

if __name__ == "__main__":
    import jax
    _d = setup_inputs()
    print(jax.jit(kernel)(*tuple(_d.values())))

</pallas_src>

<mosaic_0001>
#map = affine_map<(d0, d1) -> (0)>
module attributes {stable_mosaic.version = 14 : i64} {
  func.func @_counts_body(%arg0: i32, %arg1: i32, %arg2: memref<320000xi32, #tpu.memory_space<hbm>>, %arg3: memref<320000xi32, #tpu.memory_space<hbm>>, %arg4: memref<140032xf32, #tpu.memory_space<hbm>>, %arg5: memref<128xi32, #tpu.memory_space<vmem>>, %arg6: memref<128xi32, #tpu.memory_space<vmem>>, %arg7: memref<128xi32, #tpu.memory_space<vmem>>, %arg8: memref<16xi32, #tpu.memory_space<vmem>>, %arg9: memref<16xi32, #tpu.memory_space<vmem>>, %arg10: memref<16xi32, #tpu.memory_space<vmem>>, %arg11: memref<128xf32, #tpu.memory_space<vmem>>, %arg12: memref<4384xf32, #tpu.memory_space<vmem>>, %arg13: memref<70016xf32, #tpu.memory_space<vmem_shared>>) attributes {dimension_semantics = [#tpu.dimension_semantics<core_parallel>, #tpu.dimension_semantics<subcore_parallel>], iteration_bounds = array<i64: 2, 16>, scalar_prefetch = 0 : i64, scratch_operands = 9 : i64, tpu.core_type = #tpu.core_type<sc_vector_subcore>, window_params = [{transform_indices = #map}, {transform_indices = #map}, {transform_indices = #map}]} {
    %mul3A = arith.constant 16 : i32
    %mul3A_0 = arith.muli %arg0, %mul3A : i32
    %add3A = arith.addi %mul3A_0, %arg1 : i32
    %scan3A = arith.constant 0 : i32
    %scan3A_1 = arith.constant 0 : i32
    %scan3A_2 = arith.constant 274 : i32
    %scan3A_3 = arith.addi %scan3A_1, %scan3A_2 : i32
    %scan3A_4 = arith.constant 1 : i32
    %scan3A_5 = scf.for %scan3A_67 = %scan3A_1 to %scan3A_3 step %scan3A_4 iter_args(%scan3A_68 = %scan3A) -> (i32)  : i32 {
      %broadcast_in_dim3A_69 = arith.constant 0.000000e+00 : f32
      %broadcast_in_dim3A_70 = vector.broadcast %broadcast_in_dim3A_69 : f32 to vector<16xf32>
      %mul3A_71 = arith.constant 16 : i32
      %mul3A_72 = arith.muli %scan3A_67, %mul3A_71 : i32
      %swap3A_73 = arith.index_cast %mul3A_72 : i32 to index
      %swap3A_74 = tpu.vector_load %arg12[%swap3A_73] {strides = array<i32>} : memref<4384xf32, #tpu.memory_space<vmem>>, vector<16xf32>,
      tpu.vector_store %arg12[%swap3A_73], %broadcast_in_dim3A_70 {strides = array<i32>} : memref<4384xf32, #tpu.memory_space<vmem>>, vector<16xf32>,
      %scan3A_75 = arith.constant 0 : i32
      scf.yield %scan3A_75 : i32
    }
    %scan3A_6 = arith.constant 274 : i32
    %broadcast_in_dim3A = arith.constant 1.000000e+00 : f32
    %broadcast_in_dim3A_7 = vector.broadcast %broadcast_in_dim3A : f32 to vector<16xf32>
    %swap3A = arith.constant 0 : index
    %swap3A_8 = tpu.vector_load %arg11[%swap3A] {strides = array<i32>} : memref<128xf32, #tpu.memory_space<vmem>>, vector<16xf32>,
    tpu.vector_store %arg11[%swap3A], %broadcast_in_dim3A_7 {strides = array<i32>} : memref<128xf32, #tpu.memory_space<vmem>>, vector<16xf32>,
    %broadcast_in_dim3A_9 = arith.constant 1.000000e+00 : f32
    %broadcast_in_dim3A_10 = vector.broadcast %broadcast_in_dim3A_9 : f32 to vector<16xf32>
    %swap3A_11 = arith.constant 16 : index
    %swap3A_12 = tpu.vector_load %arg11[%swap3A_11] {strides = array<i32>} : memref<128xf32, #tpu.memory_space<vmem>>, vector<16xf32>,
    tpu.vector_store %arg11[%swap3A_11], %broadcast_in_dim3A_10 {strides = array<i32>} : memref<128xf32, #tpu.memory_space<vmem>>, vector<16xf32>,
    %broadcast_in_dim3A_13 = arith.constant 1.000000e+00 : f32
    %broadcast_in_dim3A_14 = vector.broadcast %broadcast_in_dim3A_13 : f32 to vector<16xf32>
    %swap3A_15 = arith.constant 32 : index
    %swap3A_16 = tpu.vector_load %arg11[%swap3A_15] {strides = array<i32>} : memref<128xf32, #tpu.memory_space<vmem>>, vector<16xf32>,
    tpu.vector_store %arg11[%swap3A_15], %broadcast_in_dim3A_14 {strides = array<i32>} : memref<128xf32, #tpu.memory_space<vmem>>, vector<16xf32>,
    %broadcast_in_dim3A_17 = arith.constant 1.000000e+00 : f32
    %broadcast_in_dim3A_18 = vector.broadcast %broadcast_in_dim3A_17 : f32 to vector<16xf32>
    %swap3A_19 = arith.constant 48 : index
    %swap3A_20 = tpu.vector_load %arg11[%swap3A_19] {strides = array<i32>} : memref<128xf32, #tpu.memory_space<vmem>>, vector<16xf32>,
    tpu.vector_store %arg11[%swap3A_19], %broadcast_in_dim3A_18 {strides = array<i32>} : memref<128xf32, #tpu.memory_space<vmem>>, vector<16xf32>,
    %broadcast_in_dim3A_21 = arith.constant 1.000000e+00 : f32
    %broadcast_in_dim3A_22 = vector.broadcast %broadcast_in_dim3A_21 : f32 to vector<16xf32>
    %swap3A_23 = arith.constant 64 : index
    %swap3A_24 = tpu.vector_load %arg11[%swap3A_23] {strides = array<i32>} : memref<128xf32, #tpu.memory_space<vmem>>, vector<16xf32>,
    tpu.vector_store %arg11[%swap3A_23], %broadcast_in_dim3A_22 {strides = array<i32>} : memref<128xf32, #tpu.memory_space<vmem>>, vector<16xf32>,
    %broadcast_in_dim3A_25 = arith.constant 1.000000e+00 : f32
    %broadcast_in_dim3A_26 = vector.broadcast %broadcast_in_dim3A_25 : f32 to vector<16xf32>
    %swap3A_27 = arith.constant 80 : index
    %swap3A_28 = tpu.vector_load %arg11[%swap3A_27] {strides = array<i32>} : memref<128xf32, #tpu.memory_space<vmem>>, vector<16xf32>,
    tpu.vector_store %arg11[%swap3A_27], %broadcast_in_dim3A_26 {strides = array<i32>} : memref<128xf32, #tpu.memory_space<vmem>>, vector<16xf32>,
    %broadcast_in_dim3A_29 = arith.constant 1.000000e+00 : f32
    %broadcast_in_dim3A_30 = vector.broadcast %broadcast_in_dim3A_29 : f32 to vector<16xf32>
    %swap3A_31 = arith.constant 96 : index
    %swap3A_32 = tpu.vector_load %arg11[%swap3A_31] {strides = array<i32>} : memref<128xf32, #tpu.memory_space<vmem>>, vector<16xf32>,
    tpu.vector_store %arg11[%swap3A_31], %broadcast_in_dim3A_30 {strides = array<i32>} : memref<128xf32, #tpu.memory_space<vmem>>, vector<16xf32>,
    %broadcast_in_dim3A_33 = arith.constant 1.000000e+00 : f32
    %broadcast_in_dim3A_34 = vector.broadcast %broadcast_in_dim3A_33 : f32 to vector<16xf32>
    %swap3A_35 = arith.constant 112 : index
    %swap3A_36 = tpu.vector_load %arg11[%swap3A_35] {strides = array<i32>} : memref<128xf32, #tpu.memory_space<vmem>>, vector<16xf32>,
    tpu.vector_store %arg11[%swap3A_35], %broadcast_in_dim3A_34 {strides = array<i32>} : memref<128xf32, #tpu.memory_space<vmem>>, vector<16xf32>,
    %mul3A_37 = arith.constant 4376 : i32
    %mul3A_38 = arith.muli %arg1, %mul3A_37 : i32
    "tpu.region"() ({
      %run_scoped3A = tpu.sem_alloc : memref<!tpu.dma_semaphore, #tpu.memory_space<semaphore_mem>>
      %dma_start3A = arith.constant 0 : i32
      %dma_start3A_67 = tpu.memref_slice %arg12[%dma_start3A] : memref<4384xf32, #tpu.memory_space<vmem>> -> memref<4376xf32, #tpu.memory_space<vmem>>
      %dma_start3A_68 = tpu.memref_slice %arg13[%mul3A_38] : memref<70016xf32, #tpu.memory_space<vmem_shared>> -> memref<4376xf32, #tpu.memory_space<vmem_shared>>
      %dma_start3A_69 = tpu.memref_slice %arg13[%mul3A_38] : memref<70016xf32, #tpu.memory_space<vmem_shared>> -> memref<4376xf32, #tpu.memory_space<vmem_shared>>
      %dma_start3A_70 = arith.constant 0 : i32
      %dma_start3A_71 = tpu.memref_slice %arg12[%dma_start3A_70] : memref<4384xf32, #tpu.memory_space<vmem>> -> memref<4376xf32, #tpu.memory_space<vmem>>
      tpu.enqueue_dma source(%dma_start3A_71 : memref<4376xf32, #tpu.memory_space<vmem>>) target(%dma_start3A_69 : memref<4376xf32, #tpu.memory_space<vmem_shared>>) target_semaphore(%run_scoped3A : memref<!tpu.dma_semaphore, #tpu.memory_space<semaphore_mem>>)
      %dma_wait3A = arith.constant 0 : i32
      %dma_wait3A_72 = tpu.memref_slice %arg12[%dma_wait3A] : memref<4384xf32, #tpu.memory_space<vmem>> -> memref<4376xf32, #tpu.memory_space<vmem>>
      %dma_wait3A_73 = tpu.memref_slice %arg13[%mul3A_38] : memref<70016xf32, #tpu.memory_space<vmem_shared>> -> memref<4376xf32, #tpu.memory_space<vmem_shared>>
      %dma_wait3A_74 = tpu.memref_slice %arg13[%mul3A_38] : memref<70016xf32, #tpu.memory_space<vmem_shared>> -> memref<4376xf32, #tpu.memory_space<vmem_shared>>
      %dma_wait3A_75 = arith.constant 0 : i32
      %dma_wait3A_76 = tpu.memref_slice %arg12[%dma_wait3A_75] : memref<4384xf32, #tpu.memory_space<vmem>> -> memref<4376xf32, #tpu.memory_space<vmem>>
      tpu.wait_dma2 semaphore(%run_scoped3A : memref<!tpu.dma_semaphore, #tpu.memory_space<semaphore_mem>>) src(%dma_wait3A_76 : memref<4376xf32, #tpu.memory_space<vmem>>) dst(%dma_wait3A_74 : memref<4376xf32, #tpu.memory_space<vmem_shared>>)
      tpu.yield
    }) : () -> ()
    %barrier3A = arith.constant 0 : index
    tpu.barrier barrier_id(%barrier3A)
    %scan3A_39 = arith.constant 0 : i32
    %scan3A_40 = arith.constant 0 : i32
    %scan3A_41 = arith.constant 78 : i32
    %scan3A_42 = arith.addi %scan3A_40, %scan3A_41 : i32
    %scan3A_43 = arith.constant 1 : i32
    %scan3A_44 = scf.for %scan3A_67 = %scan3A_40 to %scan3A_42 step %scan3A_43 iter_args(%scan3A_68 = %scan3A_39) -> (i32)  : i32 {
      %mul3A_69 = arith.constant 10000 : i32
      %mul3A_70 = arith.muli %add3A, %mul3A_69 : i32
      %mul3A_71 = arith.constant 128 : i32
      %mul3A_72 = arith.muli %scan3A_67, %mul3A_71 : i32
      %add3A_73 = arith.addi %mul3A_70, %mul3A_72 : i32
      "tpu.region"() ({
        %run_scoped3A = tpu.sem_alloc : memref<!tpu.dma_semaphore, #tpu.memory_space<semaphore_mem>>
        %dma_start3A = tpu.memref_slice %arg2[%add3A_73] : memref<320000xi32, #tpu.memory_space<hbm>> -> memref<128xi32, #tpu.memory_space<hbm>>
        %dma_start3A_155 = tpu.memref_slice %arg2[%add3A_73] : memref<320000xi32, #tpu.memory_space<hbm>> -> memref<128xi32, #tpu.memory_space<hbm>>
        tpu.enqueue_dma source(%dma_start3A_155 : memref<128xi32, #tpu.memory_space<hbm>>) target(%arg5 : memref<128xi32, #tpu.memory_space<vmem>>) target_semaphore(%run_scoped3A : memref<!tpu.dma_semaphore, #tpu.memory_space<semaphore_mem>>)
        %dma_wait3A = tpu.memref_slice %arg2[%add3A_73] : memref<320000xi32, #tpu.memory_space<hbm>> -> memref<128xi32, #tpu.memory_space<hbm>>
        %dma_wait3A_156 = tpu.memref_slice %arg2[%add3A_73] : memref<320000xi32, #tpu.memory_space<hbm>> -> memref<128xi32, #tpu.memory_space<hbm>>
        tpu.wait_dma2 semaphore(%run_scoped3A : memref<!tpu.dma_semaphore, #tpu.memory_space<semaphore_mem>>) src(%dma_wait3A_156 : memref<128xi32, #tpu.memory_space<hbm>>) dst(%arg5 : memref<128xi32, #tpu.memory_space<vmem>>)
        tpu.yield
      }) : () -> ()
      "tpu.region"() ({
        %run_scoped3A = tpu.sem_alloc : memref<!tpu.dma_semaphore, #tpu.memory_space<semaphore_mem>>
        %dma_start3A = tpu.memref_slice %arg3[%add3A_73] : memref<320000xi32, #tpu.memory_space<hbm>> -> memref<128xi32, #tpu.memory_space<hbm>>
        %dma_start3A_155 = tpu.memref_slice %arg3[%add3A_73] : memref<320000xi32, #tpu.memory_space<hbm>> -> memref<128xi32, #tpu.memory_space<hbm>>
        tpu.enqueue_dma source(%dma_start3A_155 : memref<128xi32, #tpu.memory_space<hbm>>) target(%arg6 : memref<128xi32, #tpu.memory_space<vmem>>) target_semaphore(%run_scoped3A : memref<!tpu.dma_semaphore, #tpu.memory_space<semaphore_mem>>)
        %dma_wait3A = tpu.memref_slice %arg3[%add3A_73] : memref<320000xi32, #tpu.memory_space<hbm>> -> memref<128xi32, #tpu.memory_space<hbm>>
        %dma_wait3A_156 = tpu.memref_slice %arg3[%add3A_73] : memref<320000xi32, #tpu.memory_space<hbm>> -> memref<128xi32, #tpu.memory_space<hbm>>
        tpu.wait_dma2 semaphore(%run_scoped3A : memref<!tpu.dma_semaphore, #tpu.memory_space<semaphore_mem>>) src(%dma_wait3A_156 : memref<128xi32, #tpu.memory_space<hbm>>) dst(%arg6 : memref<128xi32, #tpu.memory_space<vmem>>)
        tpu.yield
      }) : () -> ()
      %get3A_74 = arith.constant 0 : index
      %get3A_75 = tpu.vector_load %arg5[%get3A_74] {strides = array<i32>} : memref<128xi32, #tpu.memory_space<vmem>>, vector<16xi32>,
      %mul3A_76 = arith.constant 7 : i32
      %mul3A_77 = vector.broadcast %mul3A_76 : i32 to vector<16xi32>
      %mul3A_78 = arith.muli %get3A_75, %mul3A_77 : vector<16xi32>
      %get3A_79 = arith.constant 0 : index
      %get3A_80 = tpu.vector_load %arg6[%get3A_79] {strides = array<i32>} : memref<128xi32, #tpu.memory_space<vmem>>, vector<16xi32>,
      %add3A_81 = arith.addi %mul3A_78, %get3A_80 : vector<16xi32>
      %swap3A_82 = arith.constant 0 : index
      %swap3A_83 = tpu.vector_load %arg7[%swap3A_82] {strides = array<i32>} : memref<128xi32, #tpu.memory_space<vmem>>, vector<16xi32>,
      tpu.vector_store %arg7[%swap3A_82], %add3A_81 {strides = array<i32>} : memref<128xi32, #tpu.memory_space<vmem>>, vector<16xi32>,
      %get3A_84 = arith.constant 16 : index
      %get3A_85 = tpu.vector_load %arg5[%get3A_84] {strides = array<i32>} : memref<128xi32, #tpu.memory_space<vmem>>, vector<16xi32>,
      %mul3A_86 = arith.constant 7 : i32
      %mul3A_87 = vector.broadcast %mul3A_86 : i32 to vector<16xi32>
      %mul3A_88 = arith.muli %get3A_85, %mul3A_87 : vector<16xi32>
      %get3A_89 = arith.constant 16 : index
      %get3A_90 = tpu.vector_load %arg6[%get3A_89] {strides = array<i32>} : memref<128xi32, #tpu.memory_space<vmem>>, vector<16xi32>,
      %add3A_91 = arith.addi %mul3A_88, %get3A_90 : vector<16xi32>
      %swap3A_92 = arith.constant 16 : index
      %swap3A_93 = tpu.vector_load %arg7[%swap3A_92] {strides = array<i32>} : memref<128xi32, #tpu.memory_space<vmem>>, vector<16xi32>,
      tpu.vector_store %arg7[%swap3A_92], %add3A_91 {strides = array<i32>} : memref<128xi32, #tpu.memory_space<vmem>>, vector<16xi32>,
      %get3A_94 = arith.constant 32 : index
      %get3A_95 = tpu.vector_load %arg5[%get3A_94] {strides = array<i32>} : memref<128xi32, #tpu.memory_space<vmem>>, vector<16xi32>,
      %mul3A_96 = arith.constant 7 : i32
      %mul3A_97 = vector.broadcast %mul3A_96 : i32 to vector<16xi32>
      %mul3A_98 = arith.muli %get3A_95, %mul3A_97 : vector<16xi32>
      %get3A_99 = arith.constant 32 : index
      %get3A_100 = tpu.vector_load %arg6[%get3A_99] {strides = array<i32>} : memref<128xi32, #tpu.memory_space<vmem>>, vector<16xi32>,
      %add3A_101 = arith.addi %mul3A_98, %get3A_100 : vector<16xi32>
      %swap3A_102 = arith.constant 32 : index
      %swap3A_103 = tpu.vector_load %arg7[%swap3A_102] {strides = array<i32>} : memref<128xi32, #tpu.memory_space<vmem>>, vector<16xi32>,
      tpu.vector_store %arg7[%swap3A_102], %add3A_101 {strides = array<i32>} : memref<128xi32, #tpu.memory_space<vmem>>, vector<16xi32>,
      %get3A_104 = arith.constant 48 : index
      %get3A_105 = tpu.vector_load %arg5[%get3A_104] {strides = array<i32>} : memref<128xi32, #tpu.memory_space<vmem>>, vector<16xi32>,
      %mul3A_106 = arith.constant 7 : i32
      %mul3A_107 = vector.broadcast %mul3A_106 : i32 to vector<16xi32>
      %mul3A_108 = arith.muli %get3A_105, %mul3A_107 : vector<16xi32>
      %get3A_109 = arith.constant 48 : index
      %get3A_110 = tpu.vector_load %arg6[%get3A_109] {strides = array<i32>} : memref<128xi32, #tpu.memory_space<vmem>>, vector<16xi32>,
      %add3A_111 = arith.addi %mul3A_108, %get3A_110 : vector<16xi32>
      %swap3A_112 = arith.constant 48 : index
      %swap3A_113 = tpu.vector_load %arg7[%swap3A_112] {strides = array<i32>} : memref<128xi32, #tpu.memory_space<vmem>>, vector<16xi32>,
      tpu.vector_store %arg7[%swap3A_112], %add3A_111 {strides = array<i32>} : memref<128xi32, #tpu.memory_space<vmem>>, vector<16xi32>,
      %get3A_114 = arith.constant 64 : index
      %get3A_115 = tpu.vector_load %arg5[%get3A_114] {strides = array<i32>} : memref<128xi32, #tpu.memory_space<vmem>>, vector<16xi32>,
      %mul3A_116 = arith.constant 7 : i32
      %mul3A_117 = vector.broadcast %mul3A_116 : i32 to vector<16xi32>
      %mul3A_118 = arith.muli %get3A_115, %mul3A_117 : vector<16xi32>
      %get3A_119 = arith.constant 64 : index
      %get3A_120 = tpu.vector_load %arg6[%get3A_119] {strides = array<i32>} : memref<128xi32, #tpu.memory_space<vmem>>, vector<16xi32>,
      %add3A_121 = arith.addi %mul3A_118, %get3A_120 : vector<16xi32>
      %swap3A_122 = arith.constant 64 : index
      %swap3A_123 = tpu.vector_load %arg7[%swap3A_122] {strides = array<i32>} : memref<128xi32, #tpu.memory_space<vmem>>, vector<16xi32>,
      tpu.vector_store %arg7[%swap3A_122], %add3A_121 {strides = array<i32>} : memref<128xi32, #tpu.memory_space<vmem>>, vector<16xi32>,
      %get3A_124 = arith.constant 80 : index
      %get3A_125 = tpu.vector_load %arg5[%get3A_124] {strides = array<i32>} : memref<128xi32, #tpu.memory_space<vmem>>, vector<16xi32>,
      %mul3A_126 = arith.constant 7 : i32
      %mul3A_127 = vector.broadcast %mul3A_126 : i32 to vector<16xi32>
      %mul3A_128 = arith.muli %get3A_125, %mul3A_127 : vector<16xi32>
      %get3A_129 = arith.constant 80 : index
      %get3A_130 = tpu.vector_load %arg6[%get3A_129] {strides = array<i32>} : memref<128xi32, #tpu.memory_space<vmem>>, vector<16xi32>,
      %add3A_131 = arith.addi %mul3A_128, %get3A_130 : vector<16xi32>
      %swap3A_132 = arith.constant 80 : index
      %swap3A_133 = tpu.vector_load %arg7[%swap3A_132] {strides = array<i32>} : memref<128xi32, #tpu.memory_space<vmem>>, vector<16xi32>,
      tpu.vector_store %arg7[%swap3A_132], %add3A_131 {strides = array<i32>} : memref<128xi32, #tpu.memory_space<vmem>>, vector<16xi32>,
      %get3A_134 = arith.constant 96 : index
      %get3A_135 = tpu.vector_load %arg5[%get3A_134] {strides = array<i32>} : memref<128xi32, #tpu.memory_space<vmem>>, vector<16xi32>,
      %mul3A_136 = arith.constant 7 : i32
      %mul3A_137 = vector.broadcast %mul3A_136 : i32 to vector<16xi32>
      %mul3A_138 = arith.muli %get3A_135, %mul3A_137 : vector<16xi32>
      %get3A_139 = arith.constant 96 : index
      %get3A_140 = tpu.vector_load %arg6[%get3A_139] {strides = array<i32>} : memref<128xi32, #tpu.memory_space<vmem>>, vector<16xi32>,
      %add3A_141 = arith.addi %mul3A_138, %get3A_140 : vector<16xi32>
      %swap3A_142 = arith.constant 96 : index
      %swap3A_143 = tpu.vector_load %arg7[%swap3A_142] {strides = array<i32>} : memref<128xi32, #tpu.memory_space<vmem>>, vector<16xi32>,
      tpu.vector_store %arg7[%swap3A_142], %add3A_141 {strides = array<i32>} : memref<128xi32, #tpu.memory_space<vmem>>, vector<16xi32>,
      %get3A_144 = arith.constant 112 : index
      %get3A_145 = tpu.vector_load %arg5[%get3A_144] {strides = array<i32>} : memref<128xi32, #tpu.memory_space<vmem>>, vector<16xi32>,
      %mul3A_146 = arith.constant 7 : i32
      %mul3A_147 = vector.broadcast %mul3A_146 : i32 to vector<16xi32>
      %mul3A_148 = arith.muli %get3A_145, %mul3A_147 : vector<16xi32>
      %get3A_149 = arith.constant 112 : index
      %get3A_150 = tpu.vector_load %arg6[%get3A_149] {strides = array<i32>} : memref<128xi32, #tpu.memory_space<vmem>>, vector<16xi32>,
      %add3A_151 = arith.addi %mul3A_148, %get3A_150 : vector<16xi32>
      %swap3A_152 = arith.constant 112 : index
      %swap3A_153 = tpu.vector_load %arg7[%swap3A_152] {strides = array<i32>} : memref<128xi32, #tpu.memory_space<vmem>>, vector<16xi32>,
      tpu.vector_store %arg7[%swap3A_152], %add3A_151 {strides = array<i32>} : memref<128xi32, #tpu.memory_space<vmem>>, vector<16xi32>,
      "tpu.region"() ({
        %run_scoped3A = tpu.sem_alloc : memref<!tpu.dma_semaphore, #tpu.memory_space<semaphore_mem>>
        %dma_start3A = arith.constant 0 : i32
        %dma_start3A_155 = tpu.memref_slice %arg13[%dma_start3A] : memref<70016xf32, #tpu.memory_space<vmem_shared>> -> memref<70016xf32, #tpu.memory_space<vmem_shared>>
        tpu.enqueue_indirect_dma source(%arg11 : memref<128xf32, #tpu.memory_space<vmem>>) target(%dma_start3A_155 : memref<70016xf32, #tpu.memory_space<vmem_shared>>) offsets(%arg7 : memref<128xi32, #tpu.memory_space<vmem>>) semaphore(%run_scoped3A : memref<!tpu.dma_semaphore, #tpu.memory_space<semaphore_mem>>) {add = true}
        %dma_wait3A = arith.constant 0 : i32
        %dma_wait3A_156 = tpu.memref_slice %arg13[%dma_wait3A] : memref<70016xf32, #tpu.memory_space<vmem_shared>> -> memref<70016xf32, #tpu.memory_space<vmem_shared>>
        tpu.wait_indirect_dma semaphore(%run_scoped3A : memref<!tpu.dma_semaphore, #tpu.memory_space<semaphore_mem>>) src(%arg11 : memref<128xf32, #tpu.memory_space<vmem>>) dst(%dma_wait3A_156 : memref<70016xf32, #tpu.memory_space<vmem_shared>>)
        tpu.yield
      }) : () -> ()
      %scan3A_154 = arith.constant 0 : i32
      scf.yield %scan3A_154 : i32
    }
    %scan3A_45 = arith.constant 78 : i32
    %mul3A_46 = arith.constant 10000 : i32
    %mul3A_47 = arith.muli %add3A, %mul3A_46 : i32
    %add3A_48 = arith.constant 9984 : i32
    %add3A_49 = arith.addi %mul3A_47, %add3A_48 : i32
    "tpu.region"() ({
      %run_scoped3A = tpu.sem_alloc : memref<!tpu.dma_semaphore, #tpu.memory_space<semaphore_mem>>
      %dma_start3A = tpu.memref_slice %arg2[%add3A_49] : memref<320000xi32, #tpu.memory_space<hbm>> -> memref<16xi32, #tpu.memory_space<hbm>>
      %dma_start3A_67 = tpu.memref_slice %arg2[%add3A_49] : memref<320000xi32, #tpu.memory_space<hbm>> -> memref<16xi32, #tpu.memory_space<hbm>>
      tpu.enqueue_dma source(%dma_start3A_67 : memref<16xi32, #tpu.memory_space<hbm>>) target(%arg8 : memref<16xi32, #tpu.memory_space<vmem>>) target_semaphore(%run_scoped3A : memref<!tpu.dma_semaphore, #tpu.memory_space<semaphore_mem>>)
      %dma_wait3A = tpu.memref_slice %arg2[%add3A_49] : memref<320000xi32, #tpu.memory_space<hbm>> -> memref<16xi32, #tpu.memory_space<hbm>>
      %dma_wait3A_68 = tpu.memref_slice %arg2[%add3A_49] : memref<320000xi32, #tpu.memory_space<hbm>> -> memref<16xi32, #tpu.memory_space<hbm>>
      tpu.wait_dma2 semaphore(%run_scoped3A : memref<!tpu.dma_semaphore, #tpu.memory_space<semaphore_mem>>) src(%dma_wait3A_68 : memref<16xi32, #tpu.memory_space<hbm>>) dst(%arg8 : memref<16xi32, #tpu.memory_space<vmem>>)
      tpu.yield
    }) : () -> ()
    "tpu.region"() ({
      %run_scoped3A = tpu.sem_alloc : memref<!tpu.dma_semaphore, #tpu.memory_space<semaphore_mem>>
      %dma_start3A = tpu.memref_slice %arg3[%add3A_49] : memref<320000xi32, #tpu.memory_space<hbm>> -> memref<16xi32, #tpu.memory_space<hbm>>
      %dma_start3A_67 = tpu.memref_slice %arg3[%add3A_49] : memref<320000xi32, #tpu.memory_space<hbm>> -> memref<16xi32, #tpu.memory_space<hbm>>
      tpu.enqueue_dma source(%dma_start3A_67 : memref<16xi32, #tpu.memory_space<hbm>>) target(%arg9 : memref<16xi32, #tpu.memory_space<vmem>>) target_semaphore(%run_scoped3A : memref<!tpu.dma_semaphore, #tpu.memory_space<semaphore_mem>>)
      %dma_wait3A = tpu.memref_slice %arg3[%add3A_49] : memref<320000xi32, #tpu.memory_space<hbm>> -> memref<16xi32, #tpu.memory_space<hbm>>
      %dma_wait3A_68 = tpu.memref_slice %arg3[%add3A_49] : memref<320000xi32, #tpu.memory_space<hbm>> -> memref<16xi32, #tpu.memory_space<hbm>>
      tpu.wait_dma2 semaphore(%run_scoped3A : memref<!tpu.dma_semaphore, #tpu.memory_space<semaphore_mem>>) src(%dma_wait3A_68 : memref<16xi32, #tpu.memory_space<hbm>>) dst(%arg9 : memref<16xi32, #tpu.memory_space<vmem>>)
      tpu.yield
    }) : () -> ()
    %get3A = arith.constant 0 : index
    %get3A_50 = tpu.vector_load %arg8[%get3A] {strides = array<i32>} : memref<16xi32, #tpu.memory_space<vmem>>, vector<16xi32>,
    %mul3A_51 = arith.constant 7 : i32
    %mul3A_52 = vector.broadcast %mul3A_51 : i32 to vector<16xi32>
    %mul3A_53 = arith.muli %get3A_50, %mul3A_52 : vector<16xi32>
    %get3A_54 = arith.constant 0 : index
    %get3A_55 = tpu.vector_load %arg9[%get3A_54] {strides = array<i32>} : memref<16xi32, #tpu.memory_space<vmem>>, vector<16xi32>,
    %add3A_56 = arith.addi %mul3A_53, %get3A_55 : vector<16xi32>
    %swap3A_57 = arith.constant 0 : index
    %swap3A_58 = tpu.vector_load %arg10[%swap3A_57] {strides = array<i32>} : memref<16xi32, #tpu.memory_space<vmem>>, vector<16xi32>,
    tpu.vector_store %arg10[%swap3A_57], %add3A_56 {strides = array<i32>} : memref<16xi32, #tpu.memory_space<vmem>>, vector<16xi32>,
    "tpu.region"() ({
      %run_scoped3A = tpu.sem_alloc : memref<!tpu.dma_semaphore, #tpu.memory_space<semaphore_mem>>
      %dma_start3A = arith.constant 0 : i32
      %dma_start3A_67 = tpu.memref_slice %arg11[%dma_start3A] : memref<128xf32, #tpu.memory_space<vmem>> -> memref<16xf32, #tpu.memory_space<vmem>>
      %dma_start3A_68 = arith.constant 0 : i32
      %dma_start3A_69 = tpu.memref_slice %arg13[%dma_start3A_68] : memref<70016xf32, #tpu.memory_space<vmem_shared>> -> memref<70016xf32, #tpu.memory_space<vmem_shared>>
      tpu.enqueue_indirect_dma source(%dma_start3A_67 : memref<16xf32, #tpu.memory_space<vmem>>) target(%dma_start3A_69 : memref<70016xf32, #tpu.memory_space<vmem_shared>>) offsets(%arg10 : memref<16xi32, #tpu.memory_space<vmem>>) semaphore(%run_scoped3A : memref<!tpu.dma_semaphore, #tpu.memory_space<semaphore_mem>>) {add = true}
      %dma_wait3A = arith.constant 0 : i32
      %dma_wait3A_70 = tpu.memref_slice %arg11[%dma_wait3A] : memref<128xf32, #tpu.memory_space<vmem>> -> memref<16xf32, #tpu.memory_space<vmem>>
      %dma_wait3A_71 = arith.constant 0 : i32
      %dma_wait3A_72 = tpu.memref_slice %arg13[%dma_wait3A_71] : memref<70016xf32, #tpu.memory_space<vmem_shared>> -> memref<70016xf32, #tpu.memory_space<vmem_shared>>
      tpu.wait_indirect_dma semaphore(%run_scoped3A : memref<!tpu.dma_semaphore, #tpu.memory_space<semaphore_mem>>) src(%dma_wait3A_70 : memref<16xf32, #tpu.memory_space<vmem>>) dst(%dma_wait3A_72 : memref<70016xf32, #tpu.memory_space<vmem_shared>>)
      tpu.yield
    }) : () -> ()
    %barrier3A_59 = arith.constant 0 : index
    tpu.barrier barrier_id(%barrier3A_59)
    %mul3A_60 = arith.constant 4376 : i32
    %mul3A_61 = arith.muli %arg1, %mul3A_60 : i32
    "tpu.region"() ({
      %run_scoped3A = tpu.sem_alloc : memref<!tpu.dma_semaphore, #tpu.memory_space<semaphore_mem>>
      %dma_start3A = arith.constant 0 : i32
      %dma_start3A_67 = tpu.memref_slice %arg12[%dma_start3A] : memref<4384xf32, #tpu.memory_space<vmem>> -> memref<4376xf32, #tpu.memory_space<vmem>>
      %dma_start3A_68 = tpu.memref_slice %arg13[%mul3A_61] : memref<70016xf32, #tpu.memory_space<vmem_shared>> -> memref<4376xf32, #tpu.memory_space<vmem_shared>>
      %dma_start3A_69 = arith.constant 0 : i32
      %dma_start3A_70 = tpu.memref_slice %arg12[%dma_start3A_69] : memref<4384xf32, #tpu.memory_space<vmem>> -> memref<4376xf32, #tpu.memory_space<vmem>>
      %dma_start3A_71 = tpu.memref_slice %arg13[%mul3A_61] : memref<70016xf32, #tpu.memory_space<vmem_shared>> -> memref<4376xf32, #tpu.memory_space<vmem_shared>>
      tpu.enqueue_dma source(%dma_start3A_71 : memref<4376xf32, #tpu.memory_space<vmem_shared>>) target(%dma_start3A_70 : memref<4376xf32, #tpu.memory_space<vmem>>) target_semaphore(%run_scoped3A : memref<!tpu.dma_semaphore, #tpu.memory_space<semaphore_mem>>)
      %dma_wait3A = arith.constant 0 : i32
      %dma_wait3A_72 = tpu.memref_slice %arg12[%dma_wait3A] : memref<4384xf32, #tpu.memory_space<vmem>> -> memref<4376xf32, #tpu.memory_space<vmem>>
      %dma_wait3A_73 = tpu.memref_slice %arg13[%mul3A_61] : memref<70016xf32, #tpu.memory_space<vmem_shared>> -> memref<4376xf32, #tpu.memory_space<vmem_shared>>
      %dma_wait3A_74 = arith.constant 0 : i32
      %dma_wait3A_75 = tpu.memref_slice %arg12[%dma_wait3A_74] : memref<4384xf32, #tpu.memory_space<vmem>> -> memref<4376xf32, #tpu.memory_space<vmem>>
      %dma_wait3A_76 = tpu.memref_slice %arg13[%mul3A_61] : memref<70016xf32, #tpu.memory_space<vmem_shared>> -> memref<4376xf32, #tpu.memory_space<vmem_shared>>
      tpu.wait_dma2 semaphore(%run_scoped3A : memref<!tpu.dma_semaphore, #tpu.memory_space<semaphore_mem>>) src(%dma_wait3A_76 : memref<4376xf32, #tpu.memory_space<vmem_shared>>) dst(%dma_wait3A_75 : memref<4376xf32, #tpu.memory_space<vmem>>)
      tpu.yield
    }) : () -> ()
    %mul3A_62 = arith.constant 70016 : i32
    %mul3A_63 = arith.muli %arg0, %mul3A_62 : i32
    %mul3A_64 = arith.constant 4376 : i32
    %mul3A_65 = arith.muli %arg1, %mul3A_64 : i32
    %add3A_66 = arith.addi %mul3A_63, %mul3A_65 : i32
    "tpu.region"() ({
      %run_scoped3A = tpu.sem_alloc : memref<!tpu.dma_semaphore, #tpu.memory_space<semaphore_mem>>
      %dma_start3A = arith.constant 0 : i32
      %dma_start3A_67 = tpu.memref_slice %arg12[%dma_start3A] : memref<4384xf32, #tpu.memory_space<vmem>> -> memref<4376xf32, #tpu.memory_space<vmem>>
      %dma_start3A_68 = tpu.memref_slice %arg4[%add3A_66] : memref<140032xf32, #tpu.memory_space<hbm>> -> memref<4376xf32, #tpu.memory_space<hbm>>
      %dma_start3A_69 = tpu.memref_slice %arg4[%add3A_66] : memref<140032xf32, #tpu.memory_space<hbm>> -> memref<4376xf32, #tpu.memory_space<hbm>>
      %dma_start3A_70 = arith.constant 0 : i32
      %dma_start3A_71 = tpu.memref_slice %arg12[%dma_start3A_70] : memref<4384xf32, #tpu.memory_space<vmem>> -> memref<4376xf32, #tpu.memory_space<vmem>>
      tpu.enqueue_dma source(%dma_start3A_71 : memref<4376xf32, #tpu.memory_space<vmem>>) target(%dma_start3A_69 : memref<4376xf32, #tpu.memory_space<hbm>>) target_semaphore(%run_scoped3A : memref<!tpu.dma_semaphore, #tpu.memory_space<semaphore_mem>>)
      %dma_wait3A = arith.constant 0 : i32
      %dma_wait3A_72 = tpu.memref_slice %arg12[%dma_wait3A] : memref<4384xf32, #tpu.memory_space<vmem>> -> memref<4376xf32, #tpu.memory_space<vmem>>
      %dma_wait3A_73 = tpu.memref_slice %arg4[%add3A_66] : memref<140032xf32, #tpu.memory_space<hbm>> -> memref<4376xf32, #tpu.memory_space<hbm>>
      %dma_wait3A_74 = tpu.memref_slice %arg4[%add3A_66] : memref<140032xf32, #tpu.memory_space<hbm>> -> memref<4376xf32, #tpu.memory_space<hbm>>
      %dma_wait3A_75 = arith.constant 0 : i32
      %dma_wait3A_76 = tpu.memref_slice %arg12[%dma_wait3A_75] : memref<4384xf32, #tpu.memory_space<vmem>> -> memref<4376xf32, #tpu.memory_space<vmem>>
      tpu.wait_dma2 semaphore(%run_scoped3A : memref<!tpu.dma_semaphore, #tpu.memory_space<semaphore_mem>>) src(%dma_wait3A_76 : memref<4376xf32, #tpu.memory_space<vmem>>) dst(%dma_wait3A_74 : memref<4376xf32, #tpu.memory_space<hbm>>)
      tpu.yield
    }) : () -> ()
    return
  }
}

#map = affine_map<(d0, d1) -> (0, 0)>
#map1 = affine_map<(d0, d1) -> (0)>
#map2 = affine_map<(d0, d1) -> (0, 0, 0)>
module attributes {stable_mosaic.version = 14 : i64} {
  func.func @_scatter_body(%arg0: i32, %arg1: i32, %arg2: memref<70000x128xf32, #tpu.memory_space<hbm>>, %arg3: memref<70016xf32, #tpu.memory_space<hbm>>, %arg4: memref<320000xi32, #tpu.memory_space<hbm>>, %arg5: memref<320000xi32, #tpu.memory_space<hbm>>, %arg6: memref<320000xi32, #tpu.memory_space<hbm>>, %arg7: memref<2x10240x128xf32, #tpu.memory_space<hbm>>, %arg8: memref<128xi32, #tpu.memory_space<vmem>>, %arg9: memref<128xi32, #tpu.memory_space<vmem>>, %arg10: memref<128xi32, #tpu.memory_space<vmem>>, %arg11: memref<128xi32, #tpu.memory_space<vmem>>, %arg12: memref<128xi32, #tpu.memory_space<vmem>>, %arg13: memref<144xf32, #tpu.memory_space<vmem>>, %arg14: memref<16xi32, #tpu.memory_space<vmem>>, %arg15: memref<16xi32, #tpu.memory_space<vmem>>, %arg16: memref<16xi32, #tpu.memory_space<vmem>>, %arg17: memref<16xi32, #tpu.memory_space<vmem>>, %arg18: memref<16xi32, #tpu.memory_space<vmem>>, %arg19: memref<32xf32, #tpu.memory_space<vmem>>, %arg20: memref<128x128xf32, #tpu.memory_space<vmem>>, %arg21: memref<!tpu.dma_semaphore, #tpu.memory_space<semaphore_mem>>, %arg22: memref<!tpu.dma_semaphore, #tpu.memory_space<semaphore_mem>>, %arg23: memref<10240x128xf32, #tpu.memory_space<vmem_shared>>) attributes {dimension_semantics = [#tpu.dimension_semantics<core_parallel>, #tpu.dimension_semantics<subcore_parallel>], iteration_bounds = array<i64: 2, 16>, scalar_prefetch = 0 : i64, scratch_operands = 16 : i64, tpu.core_type = #tpu.core_type<sc_vector_subcore>, window_params = [{transform_indices = #map}, {transform_indices = #map1}, {transform_indices = #map1}, {transform_indices = #map1}, {transform_indices = #map1}, {transform_indices = #map2}]} {
    %mul3A = arith.constant 16 : i32
    %mul3A_0 = arith.muli %arg0, %mul3A : i32
    %add3A = arith.addi %mul3A_0, %arg1 : i32
    %scan3A = arith.constant 0 : i32
    %scan3A_1 = arith.constant 0 : i32
    %scan3A_2 = arith.constant 128 : i32
    %scan3A_3 = arith.addi %scan3A_1, %scan3A_2 : i32
    %scan3A_4 = arith.constant 1 : i32
    %scan3A_5 = scf.for %scan3A_100 = %scan3A_1 to %scan3A_3 step %scan3A_4 iter_args(%scan3A_101 = %scan3A) -> (i32)  : i32 {
      %broadcast_in_dim3A = arith.constant 0.000000e+00 : f32
      %broadcast_in_dim3A_102 = vector.broadcast %broadcast_in_dim3A : f32 to vector<16xf32>
      %swap3A_103 = arith.index_cast %scan3A_100 : i32 to index
      %swap3A_104 = arith.constant 0 : index
      %swap3A_105 = tpu.vector_load %arg20[%swap3A_103, %swap3A_104] {strides = array<i32>} : memref<128x128xf32, #tpu.memory_space<vmem>>, vector<16xf32>,
      tpu.vector_store %arg20[%swap3A_103, %swap3A_104], %broadcast_in_dim3A_102 {strides = array<i32>} : memref<128x128xf32, #tpu.memory_space<vmem>>, vector<16xf32>,
      %broadcast_in_dim3A_106 = arith.constant 0.000000e+00 : f32
      %broadcast_in_dim3A_107 = vector.broadcast %broadcast_in_dim3A_106 : f32 to vector<16xf32>
      %swap3A_108 = arith.index_cast %scan3A_100 : i32 to index
      %swap3A_109 = arith.constant 16 : index
      %swap3A_110 = tpu.vector_load %arg20[%swap3A_108, %swap3A_109] {strides = array<i32>} : memref<128x128xf32, #tpu.memory_space<vmem>>, vector<16xf32>,
      tpu.vector_store %arg20[%swap3A_108, %swap3A_109], %broadcast_in_dim3A_107 {strides = array<i32>} : memref<128x128xf32, #tpu.memory_space<vmem>>, vector<16xf32>,
      %broadcast_in_dim3A_111 = arith.constant 0.000000e+00 : f32
      %broadcast_in_dim3A_112 = vector.broadcast %broadcast_in_dim3A_111 : f32 to vector<16xf32>
      %swap3A_113 = arith.index_cast %scan3A_100 : i32 to index
      %swap3A_114 = arith.constant 32 : index
      %swap3A_115 = tpu.vector_load %arg20[%swap3A_113, %swap3A_114] {strides = array<i32>} : memref<128x128xf32, #tpu.memory_space<vmem>>, vector<16xf32>,
      tpu.vector_store %arg20[%swap3A_113, %swap3A_114], %broadcast_in_dim3A_112 {strides = array<i32>} : memref<128x128xf32, #tpu.memory_space<vmem>>, vector<16xf32>,
      %broadcast_in_dim3A_116 = arith.constant 0.000000e+00 : f32
      %broadcast_in_dim3A_117 = vector.broadcast %broadcast_in_dim3A_116 : f32 to vector<16xf32>
      %swap3A_118 = arith.index_cast %scan3A_100 : i32 to index
      %swap3A_119 = arith.constant 48 : index
      %swap3A_120 = tpu.vector_load %arg20[%swap3A_118, %swap3A_119] {strides = array<i32>} : memref<128x128xf32, #tpu.memory_space<vmem>>, vector<16xf32>,
      tpu.vector_store %arg20[%swap3A_118, %swap3A_119], %broadcast_in_dim3A_117 {strides = array<i32>} : memref<128x128xf32, #tpu.memory_space<vmem>>, vector<16xf32>,
      %broadcast_in_dim3A_121 = arith.constant 0.000000e+00 : f32
      %broadcast_in_dim3A_122 = vector.broadcast %broadcast_in_dim3A_121 : f32 to vector<16xf32>
      %swap3A_123 = arith.index_cast %scan3A_100 : i32 to index
      %swap3A_124 = arith.constant 64 : index
      %swap3A_125 = tpu.vector_load %arg20[%swap3A_123, %swap3A_124] {strides = array<i32>} : memref<128x128xf32, #tpu.memory_space<vmem>>, vector<16xf32>,
      tpu.vector_store %arg20[%swap3A_123, %swap3A_124], %broadcast_in_dim3A_122 {strides = array<i32>} : memref<128x128xf32, #tpu.memory_space<vmem>>, vector<16xf32>,
      %broadcast_in_dim3A_126 = arith.constant 0.000000e+00 : f32
      %broadcast_in_dim3A_127 = vector.broadcast %broadcast_in_dim3A_126 : f32 to vector<16xf32>
      %swap3A_128 = arith.index_cast %scan3A_100 : i32 to index
      %swap3A_129 = arith.constant 80 : index
      %swap3A_130 = tpu.vector_load %arg20[%swap3A_128, %swap3A_129] {strides = array<i32>} : memref<128x128xf32, #tpu.memory_space<vmem>>, vector<16xf32>,
      tpu.vector_store %arg20[%swap3A_128, %swap3A_129], %broadcast_in_dim3A_127 {strides = array<i32>} : memref<128x128xf32, #tpu.memory_space<vmem>>, vector<16xf32>,
      %broadcast_in_dim3A_131 = arith.constant 0.000000e+00 : f32
      %broadcast_in_dim3A_132 = vector.broadcast %broadcast_in_dim3A_131 : f32 to vector<16xf32>
      %swap3A_133 = arith.index_cast %scan3A_100 : i32 to index
      %swap3A_134 = arith.constant 96 : index
      %swap3A_135 = tpu.vector_load %arg20[%swap3A_133, %swap3A_134] {strides = array<i32>} : memref<128x128xf32, #tpu.memory_space<vmem>>, vector<16xf32>,
      tpu.vector_store %arg20[%swap3A_133, %swap3A_134], %broadcast_in_dim3A_132 {strides = array<i32>} : memref<128x128xf32, #tpu.memory_space<vmem>>, vector<16xf32>,
      %broadcast_in_dim3A_136 = arith.constant 0.000000e+00 : f32
      %broadcast_in_dim3A_137 = vector.broadcast %broadcast_in_dim3A_136 : f32 to vector<16xf32>
      %swap3A_138 = arith.index_cast %scan3A_100 : i32 to index
      %swap3A_139 = arith.constant 112 : index
      %swap3A_140 = tpu.vector_load %arg20[%swap3A_138, %swap3A_139] {strides = array<i32>} : memref<128x128xf32, #tpu.memory_space<vmem>>, vector<16xf32>,
      tpu.vector_store %arg20[%swap3A_138, %swap3A_139], %broadcast_in_dim3A_137 {strides = array<i32>} : memref<128x128xf32, #tpu.memory_space<vmem>>, vector<16xf32>,
      %scan3A_141 = arith.constant 0 : i32
      scf.yield %scan3A_141 : i32
    }
    %scan3A_6 = arith.constant 128 : i32
    %mul3A_7 = arith.constant 640 : i32
    %mul3A_8 = arith.muli %arg1, %mul3A_7 : i32
    %add3A_9 = arith.constant 0 : i32
    %add3A_10 = arith.addi %mul3A_8, %add3A_9 : i32
    "tpu.region"() ({
      %run_scoped3A = tpu.sem_alloc : memref<!tpu.dma_semaphore, #tpu.memory_space<semaphore_mem>>
      %dma_start3A_100 = arith.constant 0 : i32
      %dma_start3A_101 = tpu.memref_slice %arg23[%add3A_10, %dma_start3A_100] : memref<10240x128xf32, #tpu.memory_space<vmem_shared>> -> memref<128x128xf32, #tpu.memory_space<vmem_shared>>
      %dma_start3A_102 = arith.constant 0 : i32
      %dma_start3A_103 = tpu.memref_slice %arg23[%add3A_10, %dma_start3A_102] : memref<10240x128xf32, #tpu.memory_space<vmem_shared>> -> memref<128x128xf32, #tpu.memory_space<vmem_shared>>
      tpu.enqueue_dma source(%arg20 : memref<128x128xf32, #tpu.memory_space<vmem>>) target(%dma_start3A_103 : memref<128x128xf32, #tpu.memory_space<vmem_shared>>) target_semaphore(%run_scoped3A : memref<!tpu.dma_semaphore, #tpu.memory_space<semaphore_mem>>)
      %dma_wait3A_104 = arith.constant 0 : i32
      %dma_wait3A_105 = tpu.memref_slice %arg23[%add3A_10, %dma_wait3A_104] : memref<10240x128xf32, #tpu.memory_space<vmem_shared>> -> memref<128x128xf32, #tpu.memory_space<vmem_shared>>
      %dma_wait3A_106 = arith.constant 0 : i32
      %dma_wait3A_107 = tpu.memref_slice %arg23[%add3A_10, %dma_wait3A_106] : memref<10240x128xf32, #tpu.memory_space<vmem_shared>> -> memref<128x128xf32, #tpu.memory_space<vmem_shared>>
      tpu.wait_dma2 semaphore(%run_scoped3A : memref<!tpu.dma_semaphore, #tpu.memory_space<semaphore_mem>>) src(%arg20 : memref<128x128xf32, #tpu.memory_space<vmem>>) dst(%dma_wait3A_107 : memref<128x128xf32, #tpu.memory_space<vmem_shared>>)
      tpu.yield
    }) : () -> ()
    %mul3A_11 = arith.constant 640 : i32
    %mul3A_12 = arith.muli %arg1, %mul3A_11 : i32
    %add3A_13 = arith.constant 128 : i32
    %add3A_14 = arith.addi %mul3A_12, %add3A_13 : i32
    "tpu.region"() ({
      %run_scoped3A = tpu.sem_alloc : memref<!tpu.dma_semaphore, #tpu.memory_space<semaphore_mem>>
      %dma_start3A_100 = arith.constant 0 : i32
      %dma_start3A_101 = tpu.memref_slice %arg23[%add3A_14, %dma_start3A_100] : memref<10240x128xf32, #tpu.memory_space<vmem_shared>> -> memref<128x128xf32, #tpu.memory_space<vmem_shared>>
      %dma_start3A_102 = arith.constant 0 : i32
      %dma_start3A_103 = tpu.memref_slice %arg23[%add3A_14, %dma_start3A_102] : memref<10240x128xf32, #tpu.memory_space<vmem_shared>> -> memref<128x128xf32, #tpu.memory_space<vmem_shared>>
      tpu.enqueue_dma source(%arg20 : memref<128x128xf32, #tpu.memory_space<vmem>>) target(%dma_start3A_103 : memref<128x128xf32, #tpu.memory_space<vmem_shared>>) target_semaphore(%run_scoped3A : memref<!tpu.dma_semaphore, #tpu.memory_space<semaphore_mem>>)
      %dma_wait3A_104 = arith.constant 0 : i32
      %dma_wait3A_105 = tpu.memref_slice %arg23[%add3A_14, %dma_wait3A_104] : memref<10240x128xf32, #tpu.memory_space<vmem_shared>> -> memref<128x128xf32, #tpu.memory_space<vmem_shared>>
      %dma_wait3A_106 = arith.constant 0 : i32
      %dma_wait3A_107 = tpu.memref_slice %arg23[%add3A_14, %dma_wait3A_106] : memref<10240x128xf32, #tpu.memory_space<vmem_shared>> -> memref<128x128xf32, #tpu.memory_space<vmem_shared>>
      tpu.wait_dma2 semaphore(%run_scoped3A : memref<!tpu.dma_semaphore, #tpu.memory_space<semaphore_mem>>) src(%arg20 : memref<128x128xf32, #tpu.memory_space<vmem>>) dst(%dma_wait3A_107 : memref<128x128xf32, #tpu.memory_space<vmem_shared>>)
      tpu.yield
    }) : () -> ()
    %mul3A_15 = arith.constant 640 : i32
    %mul3A_16 = arith.muli %arg1, %mul3A_15 : i32
    %add3A_17 = arith.constant 256 : i32
    %add3A_18 = arith.addi %mul3A_16, %add3A_17 : i32
    "tpu.region"() ({
      %run_scoped3A = tpu.sem_alloc : memref<!tpu.dma_semaphore, #tpu.memory_space<semaphore_mem>>
      %dma_start3A_100 = arith.constant 0 : i32
      %dma_start3A_101 = tpu.memref_slice %arg23[%add3A_18, %dma_start3A_100] : memref<10240x128xf32, #tpu.memory_space<vmem_shared>> -> memref<128x128xf32, #tpu.memory_space<vmem_shared>>
      %dma_start3A_102 = arith.constant 0 : i32
      %dma_start3A_103 = tpu.memref_slice %arg23[%add3A_18, %dma_start3A_102] : memref<10240x128xf32, #tpu.memory_space<vmem_shared>> -> memref<128x128xf32, #tpu.memory_space<vmem_shared>>
      tpu.enqueue_dma source(%arg20 : memref<128x128xf32, #tpu.memory_space<vmem>>) target(%dma_start3A_103 : memref<128x128xf32, #tpu.memory_space<vmem_shared>>) target_semaphore(%run_scoped3A : memref<!tpu.dma_semaphore, #tpu.memory_space<semaphore_mem>>)
      %dma_wait3A_104 = arith.constant 0 : i32
      %dma_wait3A_105 = tpu.memref_slice %arg23[%add3A_18, %dma_wait3A_104] : memref<10240x128xf32, #tpu.memory_space<vmem_shared>> -> memref<128x128xf32, #tpu.memory_space<vmem_shared>>
      %dma_wait3A_106 = arith.constant 0 : i32
      %dma_wait3A_107 = tpu.memref_slice %arg23[%add3A_18, %dma_wait3A_106] : memref<10240x128xf32, #tpu.memory_space<vmem_shared>> -> memref<128x128xf32, #tpu.memory_space<vmem_shared>>
      tpu.wait_dma2 semaphore(%run_scoped3A : memref<!tpu.dma_semaphore, #tpu.memory_space<semaphore_mem>>) src(%arg20 : memref<128x128xf32, #tpu.memory_space<vmem>>) dst(%dma_wait3A_107 : memref<128x128xf32, #tpu.memory_space<vmem_shared>>)
      tpu.yield
    }) : () -> ()
    %mul3A_19 = arith.constant 640 : i32
    %mul3A_20 = arith.muli %arg1, %mul3A_19 : i32
    %add3A_21 = arith.constant 384 : i32
    %add3A_22 = arith.addi %mul3A_20, %add3A_21 : i32
    "tpu.region"() ({
      %run_scoped3A = tpu.sem_alloc : memref<!tpu.dma_semaphore, #tpu.memory_space<semaphore_mem>>
      %dma_start3A_100 = arith.constant 0 : i32
      %dma_start3A_101 = tpu.memref_slice %arg23[%add3A_22, %dma_start3A_100] : memref<10240x128xf32, #tpu.memory_space<vmem_shared>> -> memref<128x128xf32, #tpu.memory_space<vmem_shared>>
      %dma_start3A_102 = arith.constant 0 : i32
      %dma_start3A_103 = tpu.memref_slice %arg23[%add3A_22, %dma_start3A_102] : memref<10240x128xf32, #tpu.memory_space<vmem_shared>> -> memref<128x128xf32, #tpu.memory_space<vmem_shared>>
      tpu.enqueue_dma source(%arg20 : memref<128x128xf32, #tpu.memory_space<vmem>>) target(%dma_start3A_103 : memref<128x128xf32, #tpu.memory_space<vmem_shared>>) target_semaphore(%run_scoped3A : memref<!tpu.dma_semaphore, #tpu.memory_space<semaphore_mem>>)
      %dma_wait3A_104 = arith.constant 0 : i32
      %dma_wait3A_105 = tpu.memref_slice %arg23[%add3A_22, %dma_wait3A_104] : memref<10240x128xf32, #tpu.memory_space<vmem_shared>> -> memref<128x128xf32, #tpu.memory_space<vmem_shared>>
      %dma_wait3A_106 = arith.constant 0 : i32
      %dma_wait3A_107 = tpu.memref_slice %arg23[%add3A_22, %dma_wait3A_106] : memref<10240x128xf32, #tpu.memory_space<vmem_shared>> -> memref<128x128xf32, #tpu.memory_space<vmem_shared>>
      tpu.wait_dma2 semaphore(%run_scoped3A : memref<!tpu.dma_semaphore, #tpu.memory_space<semaphore_mem>>) src(%arg20 : memref<128x128xf32, #tpu.memory_space<vmem>>) dst(%dma_wait3A_107 : memref<128x128xf32, #tpu.memory_space<vmem_shared>>)
      tpu.yield
    }) : () -> ()
    %mul3A_23 = arith.constant 640 : i32
    %mul3A_24 = arith.muli %arg1, %mul3A_23 : i32
    %add3A_25 = arith.constant 512 : i32
    %add3A_26 = arith.addi %mul3A_24, %add3A_25 : i32
    "tpu.region"() ({
      %run_scoped3A = tpu.sem_alloc : memref<!tpu.dma_semaphore, #tpu.memory_space<semaphore_mem>>
      %dma_start3A_100 = arith.constant 0 : i32
      %dma_start3A_101 = tpu.memref_slice %arg23[%add3A_26, %dma_start3A_100] : memref<10240x128xf32, #tpu.memory_space<vmem_shared>> -> memref<128x128xf32, #tpu.memory_space<vmem_shared>>
      %dma_start3A_102 = arith.constant 0 : i32
      %dma_start3A_103 = tpu.memref_slice %arg23[%add3A_26, %dma_start3A_102] : memref<10240x128xf32, #tpu.memory_space<vmem_shared>> -> memref<128x128xf32, #tpu.memory_space<vmem_shared>>
      tpu.enqueue_dma source(%arg20 : memref<128x128xf32, #tpu.memory_space<vmem>>) target(%dma_start3A_103 : memref<128x128xf32, #tpu.memory_space<vmem_shared>>) target_semaphore(%run_scoped3A : memref<!tpu.dma_semaphore, #tpu.memory_space<semaphore_mem>>)
      %dma_wait3A_104 = arith.constant 0 : i32
      %dma_wait3A_105 = tpu.memref_slice %arg23[%add3A_26, %dma_wait3A_104] : memref<10240x128xf32, #tpu.memory_space<vmem_shared>> -> memref<128x128xf32, #tpu.memory_space<vmem_shared>>
      %dma_wait3A_106 = arith.constant 0 : i32
      %dma_wait3A_107 = tpu.memref_slice %arg23[%add3A_26, %dma_wait3A_106] : memref<10240x128xf32, #tpu.memory_space<vmem_shared>> -> memref<128x128xf32, #tpu.memory_space<vmem_shared>>
      tpu.wait_dma2 semaphore(%run_scoped3A : memref<!tpu.dma_semaphore, #tpu.memory_space<semaphore_mem>>) src(%arg20 : memref<128x128xf32, #tpu.memory_space<vmem>>) dst(%dma_wait3A_107 : memref<128x128xf32, #tpu.memory_space<vmem_shared>>)
      tpu.yield
    }) : () -> ()
    %barrier3A = arith.constant 0 : index
    tpu.barrier barrier_id(%barrier3A)
    %scan3A_27 = arith.constant 0 : i32
    %scan3A_28 = arith.constant 0 : i32
    %scan3A_29 = arith.constant 78 : i32
    %scan3A_30 = arith.addi %scan3A_28, %scan3A_29 : i32
    %scan3A_31 = arith.constant 1 : i32
    %scan3A_32 = scf.for %scan3A_100 = %scan3A_28 to %scan3A_30 step %scan3A_31 iter_args(%scan3A_101 = %scan3A_27) -> (i32)  : i32 {
      %mul3A_102 = arith.constant 10000 : i32
      %mul3A_103 = arith.muli %add3A, %mul3A_102 : i32
      %mul3A_104 = arith.constant 128 : i32
      %mul3A_105 = arith.muli %scan3A_100, %mul3A_104 : i32
      %add3A_106 = arith.addi %mul3A_103, %mul3A_105 : i32
      "tpu.region"() ({
        %run_scoped3A = tpu.sem_alloc : memref<!tpu.dma_semaphore, #tpu.memory_space<semaphore_mem>>
        %dma_start3A_273 = tpu.memref_slice %arg4[%add3A_106] : memref<320000xi32, #tpu.memory_space<hbm>> -> memref<128xi32, #tpu.memory_space<hbm>>
        %dma_start3A_274 = tpu.memref_slice %arg4[%add3A_106] : memref<320000xi32, #tpu.memory_space<hbm>> -> memref<128xi32, #tpu.memory_space<hbm>>
        tpu.enqueue_dma source(%dma_start3A_274 : memref<128xi32, #tpu.memory_space<hbm>>) target(%arg8 : memref<128xi32, #tpu.memory_space<vmem>>) target_semaphore(%run_scoped3A : memref<!tpu.dma_semaphore, #tpu.memory_space<semaphore_mem>>)
        %dma_wait3A_275 = tpu.memref_slice %arg4[%add3A_106] : memref<320000xi32, #tpu.memory_space<hbm>> -> memref<128xi32, #tpu.memory_space<hbm>>
        %dma_wait3A_276 = tpu.memref_slice %arg4[%add3A_106] : memref<320000xi32, #tpu.memory_space<hbm>> -> memref<128xi32, #tpu.memory_space<hbm>>
        tpu.wait_dma2 semaphore(%run_scoped3A : memref<!tpu.dma_semaphore, #tpu.memory_space<semaphore_mem>>) src(%dma_wait3A_276 : memref<128xi32, #tpu.memory_space<hbm>>) dst(%arg8 : memref<128xi32, #tpu.memory_space<vmem>>)
        tpu.yield
      }) : () -> ()
      "tpu.region"() ({
        %run_scoped3A = tpu.sem_alloc : memref<!tpu.dma_semaphore, #tpu.memory_space<semaphore_mem>>
        %dma_start3A_273 = tpu.memref_slice %arg5[%add3A_106] : memref<320000xi32, #tpu.memory_space<hbm>> -> memref<128xi32, #tpu.memory_space<hbm>>
        %dma_start3A_274 = tpu.memref_slice %arg5[%add3A_106] : memref<320000xi32, #tpu.memory_space<hbm>> -> memref<128xi32, #tpu.memory_space<hbm>>
        tpu.enqueue_dma source(%dma_start3A_274 : memref<128xi32, #tpu.memory_space<hbm>>) target(%arg9 : memref<128xi32, #tpu.memory_space<vmem>>) target_semaphore(%run_scoped3A : memref<!tpu.dma_semaphore, #tpu.memory_space<semaphore_mem>>)
        %dma_wait3A_275 = tpu.memref_slice %arg5[%add3A_106] : memref<320000xi32, #tpu.memory_space<hbm>> -> memref<128xi32, #tpu.memory_space<hbm>>
        %dma_wait3A_276 = tpu.memref_slice %arg5[%add3A_106] : memref<320000xi32, #tpu.memory_space<hbm>> -> memref<128xi32, #tpu.memory_space<hbm>>
        tpu.wait_dma2 semaphore(%run_scoped3A : memref<!tpu.dma_semaphore, #tpu.memory_space<semaphore_mem>>) src(%dma_wait3A_276 : memref<128xi32, #tpu.memory_space<hbm>>) dst(%arg9 : memref<128xi32, #tpu.memory_space<vmem>>)
        tpu.yield
      }) : () -> ()
      "tpu.region"() ({
        %run_scoped3A = tpu.sem_alloc : memref<!tpu.dma_semaphore, #tpu.memory_space<semaphore_mem>>
        %dma_start3A_273 = tpu.memref_slice %arg6[%add3A_106] : memref<320000xi32, #tpu.memory_space<hbm>> -> memref<128xi32, #tpu.memory_space<hbm>>
        %dma_start3A_274 = tpu.memref_slice %arg6[%add3A_106] : memref<320000xi32, #tpu.memory_space<hbm>> -> memref<128xi32, #tpu.memory_space<hbm>>
        tpu.enqueue_dma source(%dma_start3A_274 : memref<128xi32, #tpu.memory_space<hbm>>) target(%arg10 : memref<128xi32, #tpu.memory_space<vmem>>) target_semaphore(%run_scoped3A : memref<!tpu.dma_semaphore, #tpu.memory_space<semaphore_mem>>)
        %dma_wait3A_275 = tpu.memref_slice %arg6[%add3A_106] : memref<320000xi32, #tpu.memory_space<hbm>> -> memref<128xi32, #tpu.memory_space<hbm>>
        %dma_wait3A_276 = tpu.memref_slice %arg6[%add3A_106] : memref<320000xi32, #tpu.memory_space<hbm>> -> memref<128xi32, #tpu.memory_space<hbm>>
        tpu.wait_dma2 semaphore(%run_scoped3A : memref<!tpu.dma_semaphore, #tpu.memory_space<semaphore_mem>>) src(%dma_wait3A_276 : memref<128xi32, #tpu.memory_space<hbm>>) dst(%arg10 : memref<128xi32, #tpu.memory_space<vmem>>)
        tpu.yield
      }) : () -> ()
      %get3A_107 = arith.constant 0 : index
      %get3A_108 = tpu.vector_load %arg10[%get3A_107] {strides = array<i32>} : memref<128xi32, #tpu.memory_space<vmem>>, vector<16xi32>,
      %get3A_109 = arith.constant 0 : index
      %get3A_110 = tpu.vector_load %arg9[%get3A_109] {strides = array<i32>} : memref<128xi32, #tpu.memory_space<vmem>>, vector<16xi32>,
      %mul3A_111 = arith.constant 7 : i32
      %mul3A_112 = vector.broadcast %mul3A_111 : i32 to vector<16xi32>
      %mul3A_113 = arith.muli %get3A_110, %mul3A_112 : vector<16xi32>
      %add3A_114 = arith.addi %mul3A_113, %get3A_108 : vector<16xi32>
      %swap3A_115 = arith.constant 0 : index
      %swap3A_116 = tpu.vector_load %arg11[%swap3A_115] {strides = array<i32>} : memref<128xi32, #tpu.memory_space<vmem>>, vector<16xi32>,
      tpu.vector_store %arg11[%swap3A_115], %add3A_114 {strides = array<i32>} : memref<128xi32, #tpu.memory_space<vmem>>, vector<16xi32>,
      %get3A_117 = arith.constant 0 : index
      %get3A_118 = tpu.vector_load %arg8[%get3A_117] {strides = array<i32>} : memref<128xi32, #tpu.memory_space<vmem>>, vector<16xi32>,
      %mul3A_119 = arith.constant 7 : i32
      %mul3A_120 = vector.broadcast %mul3A_119 : i32 to vector<16xi32>
      %mul3A_121 = arith.muli %get3A_118, %mul3A_120 : vector<16xi32>
      %add3A_122 = arith.addi %mul3A_121, %get3A_108 : vector<16xi32>
      %swap3A_123 = arith.constant 0 : index
      %swap3A_124 = tpu.vector_load %arg12[%swap3A_123] {strides = array<i32>} : memref<128xi32, #tpu.memory_space<vmem>>, vector<16xi32>,
      tpu.vector_store %arg12[%swap3A_123], %add3A_122 {strides = array<i32>} : memref<128xi32, #tpu.memory_space<vmem>>, vector<16xi32>,
      %get3A_125 = arith.constant 16 : index
      %get3A_126 = tpu.vector_load %arg10[%get3A_125] {strides = array<i32>} : memref<128xi32, #tpu.memory_space<vmem>>, vector<16xi32>,
      %get3A_127 = arith.constant 16 : index
      %get3A_128 = tpu.vector_load %arg9[%get3A_127] {strides = array<i32>} : memref<128xi32, #tpu.memory_space<vmem>>, vector<16xi32>,
      %mul3A_129 = arith.constant 7 : i32
      %mul3A_130 = vector.broadcast %mul3A_129 : i32 to vector<16xi32>
      %mul3A_131 = arith.muli %get3A_128, %mul3A_130 : vector<16xi32>
      %add3A_132 = arith.addi %mul3A_131, %get3A_126 : vector<16xi32>
      %swap3A_133 = arith.constant 16 : index
      %swap3A_134 = tpu.vector_load %arg11[%swap3A_133] {strides = array<i32>} : memref<128xi32, #tpu.memory_space<vmem>>, vector<16xi32>,
      tpu.vector_store %arg11[%swap3A_133], %add3A_132 {strides = array<i32>} : memref<128xi32, #tpu.memory_space<vmem>>, vector<16xi32>,
      %get3A_135 = arith.constant 16 : index
      %get3A_136 = tpu.vector_load %arg8[%get3A_135] {strides = array<i32>} : memref<128xi32, #tpu.memory_space<vmem>>, vector<16xi32>,
      %mul3A_137 = arith.constant 7 : i32
      %mul3A_138 = vector.broadcast %mul3A_137 : i32 to vector<16xi32>
      %mul3A_139 = arith.muli %get3A_136, %mul3A_138 : vector<16xi32>
      %add3A_140 = arith.addi %mul3A_139, %get3A_126 : vector<16xi32>
      %swap3A_141 = arith.constant 16 : index
      %swap3A_142 = tpu.vector_load %arg12[%swap3A_141] {strides = array<i32>} : memref<128xi32, #tpu.memory_space<vmem>>, vector<16xi32>,
      tpu.vector_store %arg12[%swap3A_141], %add3A_140 {strides = array<i32>} : memref<128xi32, #tpu.memory_space<vmem>>, vector<16xi32>,
      %get3A_143 = arith.constant 32 : index
      %get3A_144 = tpu.vector_load %arg10[%get3A_143] {strides = array<i32>} : memref<128xi32, #tpu.memory_space<vmem>>, vector<16xi32>,
      %get3A_145 = arith.constant 32 : index
      %get3A_146 = tpu.vector_load %arg9[%get3A_145] {strides = array<i32>} : memref<128xi32, #tpu.memory_space<vmem>>, vector<16xi32>,
      %mul3A_147 = arith.constant 7 : i32
      %mul3A_148 = vector.broadcast %mul3A_147 : i32 to vector<16xi32>
      %mul3A_149 = arith.muli %get3A_146, %mul3A_148 : vector<16xi32>
      %add3A_150 = arith.addi %mul3A_149, %get3A_144 : vector<16xi32>
      %swap3A_151 = arith.constant 32 : index
      %swap3A_152 = tpu.vector_load %arg11[%swap3A_151] {strides = array<i32>} : memref<128xi32, #tpu.memory_space<vmem>>, vector<16xi32>,
      tpu.vector_store %arg11[%swap3A_151], %add3A_150 {strides = array<i32>} : memref<128xi32, #tpu.memory_space<vmem>>, vector<16xi32>,
      %get3A_153 = arith.constant 32 : index
      %get3A_154 = tpu.vector_load %arg8[%get3A_153] {strides = array<i32>} : memref<128xi32, #tpu.memory_space<vmem>>, vector<16xi32>,
      %mul3A_155 = arith.constant 7 : i32
      %mul3A_156 = vector.broadcast %mul3A_155 : i32 to vector<16xi32>
      %mul3A_157 = arith.muli %get3A_154, %mul3A_156 : vector<16xi32>
      %add3A_158 = arith.addi %mul3A_157, %get3A_144 : vector<16xi32>
      %swap3A_159 = arith.constant 32 : index
      %swap3A_160 = tpu.vector_load %arg12[%swap3A_159] {strides = array<i32>} : memref<128xi32, #tpu.memory_space<vmem>>, vector<16xi32>,
      tpu.vector_store %arg12[%swap3A_159], %add3A_158 {strides = array<i32>} : memref<128xi32, #tpu.memory_space<vmem>>, vector<16xi32>,
      %get3A_161 = arith.constant 48 : index
      %get3A_162 = tpu.vector_load %arg10[%get3A_161] {strides = array<i32>} : memref<128xi32, #tpu.memory_space<vmem>>, vector<16xi32>,
      %get3A_163 = arith.constant 48 : index
      %get3A_164 = tpu.vector_load %arg9[%get3A_163] {strides = array<i32>} : memref<128xi32, #tpu.memory_space<vmem>>, vector<16xi32>,
      %mul3A_165 = arith.constant 7 : i32
      %mul3A_166 = vector.broadcast %mul3A_165 : i32 to vector<16xi32>
      %mul3A_167 = arith.muli %get3A_164, %mul3A_166 : vector<16xi32>
      %add3A_168 = arith.addi %mul3A_167, %get3A_162 : vector<16xi32>
      %swap3A_169 = arith.constant 48 : index
      %swap3A_170 = tpu.vector_load %arg11[%swap3A_169] {strides = array<i32>} : memref<128xi32, #tpu.memory_space<vmem>>, vector<16xi32>,
      tpu.vector_store %arg11[%swap3A_169], %add3A_168 {strides = array<i32>} : memref<128xi32, #tpu.memory_space<vmem>>, vector<16xi32>,
      %get3A_171 = arith.constant 48 : index
      %get3A_172 = tpu.vector_load %arg8[%get3A_171] {strides = array<i32>} : memref<128xi32, #tpu.memory_space<vmem>>, vector<16xi32>,
      %mul3A_173 = arith.constant 7 : i32
      %mul3A_174 = vector.broadcast %mul3A_173 : i32 to vector<16xi32>
      %mul3A_175 = arith.muli %get3A_172, %mul3A_174 : vector<16xi32>
      %add3A_176 = arith.addi %mul3A_175, %get3A_162 : vector<16xi32>
      %swap3A_177 = arith.constant 48 : index
      %swap3A_178 = tpu.vector_load %arg12[%swap3A_177] {strides = array<i32>} : memref<128xi32, #tpu.memory_space<vmem>>, vector<16xi32>,
      tpu.vector_store %arg12[%swap3A_177], %add3A_176 {strides = array<i32>} : memref<128xi32, #tpu.memory_space<vmem>>, vector<16xi32>,
      %get3A_179 = arith.constant 64 : index
      %get3A_180 = tpu.vector_load %arg10[%get3A_179] {strides = array<i32>} : memref<128xi32, #tpu.memory_space<vmem>>, vector<16xi32>,
      %get3A_181 = arith.constant 64 : index
      %get3A_182 = tpu.vector_load %arg9[%get3A_181] {strides = array<i32>} : memref<128xi32, #tpu.memory_space<vmem>>, vector<16xi32>,
      %mul3A_183 = arith.constant 7 : i32
      %mul3A_184 = vector.broadcast %mul3A_183 : i32 to vector<16xi32>
      %mul3A_185 = arith.muli %get3A_182, %mul3A_184 : vector<16xi32>
      %add3A_186 = arith.addi %mul3A_185, %get3A_180 : vector<16xi32>
      %swap3A_187 = arith.constant 64 : index
      %swap3A_188 = tpu.vector_load %arg11[%swap3A_187] {strides = array<i32>} : memref<128xi32, #tpu.memory_space<vmem>>, vector<16xi32>,
      tpu.vector_store %arg11[%swap3A_187], %add3A_186 {strides = array<i32>} : memref<128xi32, #tpu.memory_space<vmem>>, vector<16xi32>,
      %get3A_189 = arith.constant 64 : index
      %get3A_190 = tpu.vector_load %arg8[%get3A_189] {strides = array<i32>} : memref<128xi32, #tpu.memory_space<vmem>>, vector<16xi32>,
      %mul3A_191 = arith.constant 7 : i32
      %mul3A_192 = vector.broadcast %mul3A_191 : i32 to vector<16xi32>
      %mul3A_193 = arith.muli %get3A_190, %mul3A_192 : vector<16xi32>
      %add3A_194 = arith.addi %mul3A_193, %get3A_180 : vector<16xi32>
      %swap3A_195 = arith.constant 64 : index
      %swap3A_196 = tpu.vector_load %arg12[%swap3A_195] {strides = array<i32>} : memref<128xi32, #tpu.memory_space<vmem>>, vector<16xi32>,
      tpu.vector_store %arg12[%swap3A_195], %add3A_194 {strides = array<i32>} : memref<128xi32, #tpu.memory_space<vmem>>, vector<16xi32>,
      %get3A_197 = arith.constant 80 : index
      %get3A_198 = tpu.vector_load %arg10[%get3A_197] {strides = array<i32>} : memref<128xi32, #tpu.memory_space<vmem>>, vector<16xi32>,
      %get3A_199 = arith.constant 80 : index
      %get3A_200 = tpu.vector_load %arg9[%get3A_199] {strides = array<i32>} : memref<128xi32, #tpu.memory_space<vmem>>, vector<16xi32>,
      %mul3A_201 = arith.constant 7 : i32
      %mul3A_202 = vector.broadcast %mul3A_201 : i32 to vector<16xi32>
      %mul3A_203 = arith.muli %get3A_200, %mul3A_202 : vector<16xi32>
      %add3A_204 = arith.addi %mul3A_203, %get3A_198 : vector<16xi32>
      %swap3A_205 = arith.constant 80 : index
      %swap3A_206 = tpu.vector_load %arg11[%swap3A_205] {strides = array<i32>} : memref<128xi32, #tpu.memory_space<vmem>>, vector<16xi32>,
      tpu.vector_store %arg11[%swap3A_205], %add3A_204 {strides = array<i32>} : memref<128xi32, #tpu.memory_space<vmem>>, vector<16xi32>,
      %get3A_207 = arith.constant 80 : index
      %get3A_208 = tpu.vector_load %arg8[%get3A_207] {strides = array<i32>} : memref<128xi32, #tpu.memory_space<vmem>>, vector<16xi32>,
      %mul3A_209 = arith.constant 7 : i32
      %mul3A_210 = vector.broadcast %mul3A_209 : i32 to vector<16xi32>
      %mul3A_211 = arith.muli %get3A_208, %mul3A_210 : vector<16xi32>
      %add3A_212 = arith.addi %mul3A_211, %get3A_198 : vector<16xi32>
      %swap3A_213 = arith.constant 80 : index
      %swap3A_214 = tpu.vector_load %arg12[%swap3A_213] {strides = array<i32>} : memref<128xi32, #tpu.memory_space<vmem>>, vector<16xi32>,
      tpu.vector_store %arg12[%swap3A_213], %add3A_212 {strides = array<i32>} : memref<128xi32, #tpu.memory_space<vmem>>, vector<16xi32>,
      %get3A_215 = arith.constant 96 : index
      %get3A_216 = tpu.vector_load %arg10[%get3A_215] {strides = array<i32>} : memref<128xi32, #tpu.memory_space<vmem>>, vector<16xi32>,
      %get3A_217 = arith.constant 96 : index
      %get3A_218 = tpu.vector_load %arg9[%get3A_217] {strides = array<i32>} : memref<128xi32, #tpu.memory_space<vmem>>, vector<16xi32>,
      %mul3A_219 = arith.constant 7 : i32
      %mul3A_220 = vector.broadcast %mul3A_219 : i32 to vector<16xi32>
      %mul3A_221 = arith.muli %get3A_218, %mul3A_220 : vector<16xi32>
      %add3A_222 = arith.addi %mul3A_221, %get3A_216 : vector<16xi32>
      %swap3A_223 = arith.constant 96 : index
      %swap3A_224 = tpu.vector_load %arg11[%swap3A_223] {strides = array<i32>} : memref<128xi32, #tpu.memory_space<vmem>>, vector<16xi32>,
      tpu.vector_store %arg11[%swap3A_223], %add3A_222 {strides = array<i32>} : memref<128xi32, #tpu.memory_space<vmem>>, vector<16xi32>,
      %get3A_225 = arith.constant 96 : index
      %get3A_226 = tpu.vector_load %arg8[%get3A_225] {strides = array<i32>} : memref<128xi32, #tpu.memory_space<vmem>>, vector<16xi32>,
      %mul3A_227 = arith.constant 7 : i32
      %mul3A_228 = vector.broadcast %mul3A_227 : i32 to vector<16xi32>
      %mul3A_229 = arith.muli %get3A_226, %mul3A_228 : vector<16xi32>
      %add3A_230 = arith.addi %mul3A_229, %get3A_216 : vector<16xi32>
      %swap3A_231 = arith.constant 96 : index
      %swap3A_232 = tpu.vector_load %arg12[%swap3A_231] {strides = array<i32>} : memref<128xi32, #tpu.memory_space<vmem>>, vector<16xi32>,
      tpu.vector_store %arg12[%swap3A_231], %add3A_230 {strides = array<i32>} : memref<128xi32, #tpu.memory_space<vmem>>, vector<16xi32>,
      %get3A_233 = arith.constant 112 : index
      %get3A_234 = tpu.vector_load %arg10[%get3A_233] {strides = array<i32>} : memref<128xi32, #tpu.memory_space<vmem>>, vector<16xi32>,
      %get3A_235 = arith.constant 112 : index
      %get3A_236 = tpu.vector_load %arg9[%get3A_235] {strides = array<i32>} : memref<128xi32, #tpu.memory_space<vmem>>, vector<16xi32>,
      %mul3A_237 = arith.constant 7 : i32
      %mul3A_238 = vector.broadcast %mul3A_237 : i32 to vector<16xi32>
      %mul3A_239 = arith.muli %get3A_236, %mul3A_238 : vector<16xi32>
      %add3A_240 = arith.addi %mul3A_239, %get3A_234 : vector<16xi32>
      %swap3A_241 = arith.constant 112 : index
      %swap3A_242 = tpu.vector_load %arg11[%swap3A_241] {strides = array<i32>} : memref<128xi32, #tpu.memory_space<vmem>>, vector<16xi32>,
      tpu.vector_store %arg11[%swap3A_241], %add3A_240 {strides = array<i32>} : memref<128xi32, #tpu.memory_space<vmem>>, vector<16xi32>,
      %get3A_243 = arith.constant 112 : index
      %get3A_244 = tpu.vector_load %arg8[%get3A_243] {strides = array<i32>} : memref<128xi32, #tpu.memory_space<vmem>>, vector<16xi32>,
      %mul3A_245 = arith.constant 7 : i32
      %mul3A_246 = vector.broadcast %mul3A_245 : i32 to vector<16xi32>
      %mul3A_247 = arith.muli %get3A_244, %mul3A_246 : vector<16xi32>
      %add3A_248 = arith.addi %mul3A_247, %get3A_234 : vector<16xi32>
      %swap3A_249 = arith.constant 112 : index
      %swap3A_250 = tpu.vector_load %arg12[%swap3A_249] {strides = array<i32>} : memref<128xi32, #tpu.memory_space<vmem>>, vector<16xi32>,
      tpu.vector_store %arg12[%swap3A_249], %add3A_248 {strides = array<i32>} : memref<128xi32, #tpu.memory_space<vmem>>, vector<16xi32>,
      %dma_start3A_251 = arith.constant 0 : i32
      %dma_start3A_252 = arith.constant 0 : i32
      %dma_start3A_253 = tpu.memref_slice %arg2[%dma_start3A_251, %dma_start3A_252] : memref<70000x128xf32, #tpu.memory_space<hbm>> -> memref<70000x128xf32, #tpu.memory_space<hbm>>
      tpu.enqueue_indirect_dma source(%dma_start3A_253 : memref<70000x128xf32, #tpu.memory_space<hbm>>) target(%arg20 : memref<128x128xf32, #tpu.memory_space<vmem>>) offsets(%arg11 : memref<128xi32, #tpu.memory_space<vmem>>) semaphore(%arg21 : memref<!tpu.dma_semaphore, #tpu.memory_space<semaphore_mem>>)
      %dma_start3A_254 = arith.constant 0 : i32
      %dma_start3A_255 = tpu.memref_slice %arg13[%dma_start3A_254] : memref<144xf32, #tpu.memory_space<vmem>> -> memref<128xf32, #tpu.memory_space<vmem>>
      %dma_start3A_256 = arith.constant 0 : i32
      %dma_start3A_257 = tpu.memref_slice %arg3[%dma_start3A_256] : memref<70016xf32, #tpu.memory_space<hbm>> -> memref<70016xf32, #tpu.memory_space<hbm>>
      tpu.enqueue_indirect_dma source(%dma_start3A_257 : memref<70016xf32, #tpu.memory_space<hbm>>) target(%dma_start3A_255 : memref<128xf32, #tpu.memory_space<vmem>>) offsets(%arg12 : memref<128xi32, #tpu.memory_space<vmem>>) semaphore(%arg22 : memref<!tpu.dma_semaphore, #tpu.memory_space<semaphore_mem>>)
      %dma_wait3A_258 = arith.constant 0 : i32
      %dma_wait3A_259 = arith.constant 0 : i32
      %dma_wait3A_260 = tpu.memref_slice %arg2[%dma_wait3A_258, %dma_wait3A_259] : memref<70000x128xf32, #tpu.memory_space<hbm>> -> memref<70000x128xf32, #tpu.memory_space<hbm>>
      tpu.wait_indirect_dma semaphore(%arg21 : memref<!tpu.dma_semaphore, #tpu.memory_space<semaphore_mem>>) src(%dma_wait3A_260 : memref<70000x128xf32, #tpu.memory_space<hbm>>) dst(%arg20 : memref<128x128xf32, #tpu.memory_space<vmem>>)
      %dma_wait3A_261 = arith.constant 0 : i32
      %dma_wait3A_262 = tpu.memref_slice %arg13[%dma_wait3A_261] : memref<144xf32, #tpu.memory_space<vmem>> -> memref<128xf32, #tpu.memory_space<vmem>>
      %dma_wait3A_263 = arith.constant 0 : i32
      %dma_wait3A_264 = tpu.memref_slice %arg3[%dma_wait3A_263] : memref<70016xf32, #tpu.memory_space<hbm>> -> memref<70016xf32, #tpu.memory_space<hbm>>
      tpu.wait_indirect_dma semaphore(%arg22 : memref<!tpu.dma_semaphore, #tpu.memory_space<semaphore_mem>>) src(%dma_wait3A_264 : memref<70016xf32, #tpu.memory_space<hbm>>) dst(%dma_wait3A_262 : memref<128xf32, #tpu.memory_space<vmem>>)
      %scan3A_265 = arith.constant 0 : i32
      %scan3A_266 = arith.constant 0 : i32
      %scan3A_267 = arith.constant 128 : i32
      %scan3A_268 = arith.addi %scan3A_266, %scan3A_267 : i32
      %scan3A_269 = arith.constant 1 : i32
      %scan3A_270 = scf.for %scan3A_273 = %scan3A_266 to %scan3A_268 step %scan3A_269 iter_args(%scan3A_274 = %scan3A_265) -> (i32)  : i32 {
        %get3A_275 = arith.index_cast %scan3A_273 : i32 to index
        %get3A_276 = tpu.vector_load %arg13[%get3A_275] {strides = array<i32>} : memref<144xf32, #tpu.memory_space<vmem>>, vector<16xf32>,
        %slice3A = vector.extract_strided_slice %get3A_276 {offsets = [0], sizes = [1], strides = [1]} : vector<16xf32> to vector<1xf32>
        %squeeze3A = vector.extract %slice3A[0] : f32 from vector<1xf32>
        %get3A_277 = arith.index_cast %scan3A_273 : i32 to index
        %get3A_278 = arith.constant 0 : index
        %get3A_279 = tpu.vector_load %arg20[%get3A_277, %get3A_278] {strides = array<i32>} : memref<128x128xf32, #tpu.memory_space<vmem>>, vector<16xf32>,
        %mul3A_280 = vector.broadcast %squeeze3A : f32 to vector<16xf32>
        %mul3A_281 = arith.mulf %get3A_279, %mul3A_280 : vector<16xf32>
        %swap3A_282 = arith.index_cast %scan3A_273 : i32 to index
        %swap3A_283 = arith.constant 0 : index
        %swap3A_284 = tpu.vector_load %arg20[%swap3A_282, %swap3A_283] {strides = array<i32>} : memref<128x128xf32, #tpu.memory_space<vmem>>, vector<16xf32>,
        tpu.vector_store %arg20[%swap3A_282, %swap3A_283], %mul3A_281 {strides = array<i32>} : memref<128x128xf32, #tpu.memory_space<vmem>>, vector<16xf32>,
        %get3A_285 = arith.index_cast %scan3A_273 : i32 to index
        %get3A_286 = arith.constant 16 : index
        %get3A_287 = tpu.vector_load %arg20[%get3A_285, %get3A_286] {strides = array<i32>} : memref<128x128xf32, #tpu.memory_space<vmem>>, vector<16xf32>,
        %mul3A_288 = vector.broadcast %squeeze3A : f32 to vector<16xf32>
        %mul3A_289 = arith.mulf %get3A_287, %mul3A_288 : vector<16xf32>
        %swap3A_290 = arith.index_cast %scan3A_273 : i32 to index
        %swap3A_291 = arith.constant 16 : index
        %swap3A_292 = tpu.vector_load %arg20[%swap3A_290, %swap3A_291] {strides = array<i32>} : memref<128x128xf32, #tpu.memory_space<vmem>>, vector<16xf32>,
        tpu.vector_store %arg20[%swap3A_290, %swap3A_291], %mul3A_289 {strides = array<i32>} : memref<128x128xf32, #tpu.memory_space<vmem>>, vector<16xf32>,
        %get3A_293 = arith.index_cast %scan3A_273 : i32 to index
        %get3A_294 = arith.constant 32 : index
        %get3A_295 = tpu.vector_load %arg20[%get3A_293, %get3A_294] {strides = array<i32>} : memref<128x128xf32, #tpu.memory_space<vmem>>, vector<16xf32>,
        %mul3A_296 = vector.broadcast %squeeze3A : f32 to vector<16xf32>
        %mul3A_297 = arith.mulf %get3A_295, %mul3A_296 : vector<16xf32>
        %swap3A_298 = arith.index_cast %scan3A_273 : i32 to index
        %swap3A_299 = arith.constant 32 : index
        %swap3A_300 = tpu.vector_load %arg20[%swap3A_298, %swap3A_299] {strides = array<i32>} : memref<128x128xf32, #tpu.memory_space<vmem>>, vector<16xf32>,
        tpu.vector_store %arg20[%swap3A_298, %swap3A_299], %mul3A_297 {strides = array<i32>} : memref<128x128xf32, #tpu.memory_space<vmem>>, vector<16xf32>,
        %get3A_301 = arith.index_cast %scan3A_273 : i32 to index
        %get3A_302 = arith.constant 48 : index
        %get3A_303 = tpu.vector_load %arg20[%get3A_301, %get3A_302] {strides = array<i32>} : memref<128x128xf32, #tpu.memory_space<vmem>>, vector<16xf32>,
        %mul3A_304 = vector.broadcast %squeeze3A : f32 to vector<16xf32>
        %mul3A_305 = arith.mulf %get3A_303, %mul3A_304 : vector<16xf32>
        %swap3A_306 = arith.index_cast %scan3A_273 : i32 to index
        %swap3A_307 = arith.constant 48 : index
        %swap3A_308 = tpu.vector_load %arg20[%swap3A_306, %swap3A_307] {strides = array<i32>} : memref<128x128xf32, #tpu.memory_space<vmem>>, vector<16xf32>,
        tpu.vector_store %arg20[%swap3A_306, %swap3A_307], %mul3A_305 {strides = array<i32>} : memref<128x128xf32, #tpu.memory_space<vmem>>, vector<16xf32>,
        %get3A_309 = arith.index_cast %scan3A_273 : i32 to index
        %get3A_310 = arith.constant 64 : index
        %get3A_311 = tpu.vector_load %arg20[%get3A_309, %get3A_310] {strides = array<i32>} : memref<128x128xf32, #tpu.memory_space<vmem>>, vector<16xf32>,
        %mul3A_312 = vector.broadcast %squeeze3A : f32 to vector<16xf32>
        %mul3A_313 = arith.mulf %get3A_311, %mul3A_312 : vector<16xf32>
        %swap3A_314 = arith.index_cast %scan3A_273 : i32 to index
        %swap3A_315 = arith.constant 64 : index
        %swap3A_316 = tpu.vector_load %arg20[%swap3A_314, %swap3A_315] {strides = array<i32>} : memref<128x128xf32, #tpu.memory_space<vmem>>, vector<16xf32>,
        tpu.vector_store %arg20[%swap3A_314, %swap3A_315], %mul3A_313 {strides = array<i32>} : memref<128x128xf32, #tpu.memory_space<vmem>>, vector<16xf32>,
        %get3A_317 = arith.index_cast %scan3A_273 : i32 to index
        %get3A_318 = arith.constant 80 : index
        %get3A_319 = tpu.vector_load %arg20[%get3A_317, %get3A_318] {strides = array<i32>} : memref<128x128xf32, #tpu.memory_space<vmem>>, vector<16xf32>,
        %mul3A_320 = vector.broadcast %squeeze3A : f32 to vector<16xf32>
        %mul3A_321 = arith.mulf %get3A_319, %mul3A_320 : vector<16xf32>
        %swap3A_322 = arith.index_cast %scan3A_273 : i32 to index
        %swap3A_323 = arith.constant 80 : index
        %swap3A_324 = tpu.vector_load %arg20[%swap3A_322, %swap3A_323] {strides = array<i32>} : memref<128x128xf32, #tpu.memory_space<vmem>>, vector<16xf32>,
        tpu.vector_store %arg20[%swap3A_322, %swap3A_323], %mul3A_321 {strides = array<i32>} : memref<128x128xf32, #tpu.memory_space<vmem>>, vector<16xf32>,
        %get3A_325 = arith.index_cast %scan3A_273 : i32 to index
        %get3A_326 = arith.constant 96 : index
        %get3A_327 = tpu.vector_load %arg20[%get3A_325, %get3A_326] {strides = array<i32>} : memref<128x128xf32, #tpu.memory_space<vmem>>, vector<16xf32>,
        %mul3A_328 = vector.broadcast %squeeze3A : f32 to vector<16xf32>
        %mul3A_329 = arith.mulf %get3A_327, %mul3A_328 : vector<16xf32>
        %swap3A_330 = arith.index_cast %scan3A_273 : i32 to index
        %swap3A_331 = arith.constant 96 : index
        %swap3A_332 = tpu.vector_load %arg20[%swap3A_330, %swap3A_331] {strides = array<i32>} : memref<128x128xf32, #tpu.memory_space<vmem>>, vector<16xf32>,
        tpu.vector_store %arg20[%swap3A_330, %swap3A_331], %mul3A_329 {strides = array<i32>} : memref<128x128xf32, #tpu.memory_space<vmem>>, vector<16xf32>,
        %get3A_333 = arith.index_cast %scan3A_273 : i32 to index
        %get3A_334 = arith.constant 112 : index
        %get3A_335 = tpu.vector_load %arg20[%get3A_333, %get3A_334] {strides = array<i32>} : memref<128x128xf32, #tpu.memory_space<vmem>>, vector<16xf32>,
        %mul3A_336 = vector.broadcast %squeeze3A : f32 to vector<16xf32>
        %mul3A_337 = arith.mulf %get3A_335, %mul3A_336 : vector<16xf32>
        %swap3A_338 = arith.index_cast %scan3A_273 : i32 to index
        %swap3A_339 = arith.constant 112 : index
        %swap3A_340 = tpu.vector_load %arg20[%swap3A_338, %swap3A_339] {strides = array<i32>} : memref<128x128xf32, #tpu.memory_space<vmem>>, vector<16xf32>,
        tpu.vector_store %arg20[%swap3A_338, %swap3A_339], %mul3A_337 {strides = array<i32>} : memref<128x128xf32, #tpu.memory_space<vmem>>, vector<16xf32>,
        %scan3A_341 = arith.constant 0 : i32
        scf.yield %scan3A_341 : i32
      }
      %scan3A_271 = arith.constant 128 : i32
      "tpu.region"() ({
        %run_scoped3A = tpu.sem_alloc : memref<!tpu.dma_semaphore, #tpu.memory_space<semaphore_mem>>
        %dma_start3A_273 = arith.constant 0 : i32
        %dma_start3A_274 = arith.constant 0 : i32
        %dma_start3A_275 = tpu.memref_slice %arg23[%dma_start3A_273, %dma_start3A_274] : memref<10240x128xf32, #tpu.memory_space<vmem_shared>> -> memref<10240x128xf32, #tpu.memory_space<vmem_shared>>
        tpu.enqueue_indirect_dma source(%arg20 : memref<128x128xf32, #tpu.memory_space<vmem>>) target(%dma_start3A_275 : memref<10240x128xf32, #tpu.memory_space<vmem_shared>>) offsets(%arg8 : memref<128xi32, #tpu.memory_space<vmem>>) semaphore(%run_scoped3A : memref<!tpu.dma_semaphore, #tpu.memory_space<semaphore_mem>>) {add = true}
        %dma_wait3A_276 = arith.constant 0 : i32
        %dma_wait3A_277 = arith.constant 0 : i32
        %dma_wait3A_278 = tpu.memref_slice %arg23[%dma_wait3A_276, %dma_wait3A_277] : memref<10240x128xf32, #tpu.memory_space<vmem_shared>> -> memref<10240x128xf32, #tpu.memory_space<vmem_shared>>
        tpu.wait_indirect_dma semaphore(%run_scoped3A : memref<!tpu.dma_semaphore, #tpu.memory_space<semaphore_mem>>) src(%arg20 : memref<128x128xf32, #tpu.memory_space<vmem>>) dst(%dma_wait3A_278 : memref<10240x128xf32, #tpu.memory_space<vmem_shared>>)
        tpu.yield
      }) : () -> ()
      %scan3A_272 = arith.constant 0 : i32
      scf.yield %scan3A_272 : i32
    }
    %scan3A_33 = arith.constant 78 : i32
    %mul3A_34 = arith.constant 10000 : i32
    %mul3A_35 = arith.muli %add3A, %mul3A_34 : i32
    %add3A_36 = arith.constant 9984 : i32
    %add3A_37 = arith.addi %mul3A_35, %add3A_36 : i32
    "tpu.region"() ({
      %run_scoped3A = tpu.sem_alloc : memref<!tpu.dma_semaphore, #tpu.memory_space<semaphore_mem>>
      %dma_start3A_100 = tpu.memref_slice %arg4[%add3A_37] : memref<320000xi32, #tpu.memory_space<hbm>> -> memref<16xi32, #tpu.memory_space<hbm>>
      %dma_start3A_101 = tpu.memref_slice %arg4[%add3A_37] : memref<320000xi32, #tpu.memory_space<hbm>> -> memref<16xi32, #tpu.memory_space<hbm>>
      tpu.enqueue_dma source(%dma_start3A_101 : memref<16xi32, #tpu.memory_space<hbm>>) target(%arg14 : memref<16xi32, #tpu.memory_space<vmem>>) target_semaphore(%run_scoped3A : memref<!tpu.dma_semaphore, #tpu.memory_space<semaphore_mem>>)
      %dma_wait3A_102 = tpu.memref_slice %arg4[%add3A_37] : memref<320000xi32, #tpu.memory_space<hbm>> -> memref<16xi32, #tpu.memory_space<hbm>>
      %dma_wait3A_103 = tpu.memref_slice %arg4[%add3A_37] : memref<320000xi32, #tpu.memory_space<hbm>> -> memref<16xi32, #tpu.memory_space<hbm>>
      tpu.wait_dma2 semaphore(%run_scoped3A : memref<!tpu.dma_semaphore, #tpu.memory_space<semaphore_mem>>) src(%dma_wait3A_103 : memref<16xi32, #tpu.memory_space<hbm>>) dst(%arg14 : memref<16xi32, #tpu.memory_space<vmem>>)
      tpu.yield
    }) : () -> ()
    "tpu.region"() ({
      %run_scoped3A = tpu.sem_alloc : memref<!tpu.dma_semaphore, #tpu.memory_space<semaphore_mem>>
      %dma_start3A_100 = tpu.memref_slice %arg5[%add3A_37] : memref<320000xi32, #tpu.memory_space<hbm>> -> memref<16xi32, #tpu.memory_space<hbm>>
      %dma_start3A_101 = tpu.memref_slice %arg5[%add3A_37] : memref<320000xi32, #tpu.memory_space<hbm>> -> memref<16xi32, #tpu.memory_space<hbm>>
      tpu.enqueue_dma source(%dma_start3A_101 : memref<16xi32, #tpu.memory_space<hbm>>) target(%arg15 : memref<16xi32, #tpu.memory_space<vmem>>) target_semaphore(%run_scoped3A : memref<!tpu.dma_semaphore, #tpu.memory_space<semaphore_mem>>)
      %dma_wait3A_102 = tpu.memref_slice %arg5[%add3A_37] : memref<320000xi32, #tpu.memory_space<hbm>> -> memref<16xi32, #tpu.memory_space<hbm>>
      %dma_wait3A_103 = tpu.memref_slice %arg5[%add3A_37] : memref<320000xi32, #tpu.memory_space<hbm>> -> memref<16xi32, #tpu.memory_space<hbm>>
      tpu.wait_dma2 semaphore(%run_scoped3A : memref<!tpu.dma_semaphore, #tpu.memory_space<semaphore_mem>>) src(%dma_wait3A_103 : memref<16xi32, #tpu.memory_space<hbm>>) dst(%arg15 : memref<16xi32, #tpu.memory_space<vmem>>)
      tpu.yield
    }) : () -> ()
    "tpu.region"() ({
      %run_scoped3A = tpu.sem_alloc : memref<!tpu.dma_semaphore, #tpu.memory_space<semaphore_mem>>
      %dma_start3A_100 = tpu.memref_slice %arg6[%add3A_37] : memref<320000xi32, #tpu.memory_space<hbm>> -> memref<16xi32, #tpu.memory_space<hbm>>
      %dma_start3A_101 = tpu.memref_slice %arg6[%add3A_37] : memref<320000xi32, #tpu.memory_space<hbm>> -> memref<16xi32, #tpu.memory_space<hbm>>
      tpu.enqueue_dma source(%dma_start3A_101 : memref<16xi32, #tpu.memory_space<hbm>>) target(%arg16 : memref<16xi32, #tpu.memory_space<vmem>>) target_semaphore(%run_scoped3A : memref<!tpu.dma_semaphore, #tpu.memory_space<semaphore_mem>>)
      %dma_wait3A_102 = tpu.memref_slice %arg6[%add3A_37] : memref<320000xi32, #tpu.memory_space<hbm>> -> memref<16xi32, #tpu.memory_space<hbm>>
      %dma_wait3A_103 = tpu.memref_slice %arg6[%add3A_37] : memref<320000xi32, #tpu.memory_space<hbm>> -> memref<16xi32, #tpu.memory_space<hbm>>
      tpu.wait_dma2 semaphore(%run_scoped3A : memref<!tpu.dma_semaphore, #tpu.memory_space<semaphore_mem>>) src(%dma_wait3A_103 : memref<16xi32, #tpu.memory_space<hbm>>) dst(%arg16 : memref<16xi32, #tpu.memory_space<vmem>>)
      tpu.yield
    }) : () -> ()
    %get3A = arith.constant 0 : index
    %get3A_38 = tpu.vector_load %arg16[%get3A] {strides = array<i32>} : memref<16xi32, #tpu.memory_space<vmem>>, vector<16xi32>,
    %get3A_39 = arith.constant 0 : index
    %get3A_40 = tpu.vector_load %arg15[%get3A_39] {strides = array<i32>} : memref<16xi32, #tpu.memory_space<vmem>>, vector<16xi32>,
    %mul3A_41 = arith.constant 7 : i32
    %mul3A_42 = vector.broadcast %mul3A_41 : i32 to vector<16xi32>
    %mul3A_43 = arith.muli %get3A_40, %mul3A_42 : vector<16xi32>
    %add3A_44 = arith.addi %mul3A_43, %get3A_38 : vector<16xi32>
    %swap3A = arith.constant 0 : index
    %swap3A_45 = tpu.vector_load %arg17[%swap3A] {strides = array<i32>} : memref<16xi32, #tpu.memory_space<vmem>>, vector<16xi32>,
    tpu.vector_store %arg17[%swap3A], %add3A_44 {strides = array<i32>} : memref<16xi32, #tpu.memory_space<vmem>>, vector<16xi32>,
    %get3A_46 = arith.constant 0 : index
    %get3A_47 = tpu.vector_load %arg14[%get3A_46] {strides = array<i32>} : memref<16xi32, #tpu.memory_space<vmem>>, vector<16xi32>,
    %mul3A_48 = arith.constant 7 : i32
    %mul3A_49 = vector.broadcast %mul3A_48 : i32 to vector<16xi32>
    %mul3A_50 = arith.muli %get3A_47, %mul3A_49 : vector<16xi32>
    %add3A_51 = arith.addi %mul3A_50, %get3A_38 : vector<16xi32>
    %swap3A_52 = arith.constant 0 : index
    %swap3A_53 = tpu.vector_load %arg18[%swap3A_52] {strides = array<i32>} : memref<16xi32, #tpu.memory_space<vmem>>, vector<16xi32>,
    tpu.vector_store %arg18[%swap3A_52], %add3A_51 {strides = array<i32>} : memref<16xi32, #tpu.memory_space<vmem>>, vector<16xi32>,
    %dma_start3A = arith.constant 0 : i32
    %dma_start3A_54 = arith.constant 0 : i32
    %dma_start3A_55 = tpu.memref_slice %arg20[%dma_start3A, %dma_start3A_54] : memref<128x128xf32, #tpu.memory_space<vmem>> -> memref<16x128xf32, #tpu.memory_space<vmem>>
    %dma_start3A_56 = arith.constant 0 : i32
    %dma_start3A_57 = arith.constant 0 : i32
    %dma_start3A_58 = tpu.memref_slice %arg2[%dma_start3A_56, %dma_start3A_57] : memref<70000x128xf32, #tpu.memory_space<hbm>> -> memref<70000x128xf32, #tpu.memory_space<hbm>>
    tpu.enqueue_indirect_dma source(%dma_start3A_58 : memref<70000x128xf32, #tpu.memory_space<hbm>>) target(%dma_start3A_55 : memref<16x128xf32, #tpu.memory_space<vmem>>) offsets(%arg17 : memref<16xi32, #tpu.memory_space<vmem>>) semaphore(%arg21 : memref<!tpu.dma_semaphore, #tpu.memory_space<semaphore_mem>>)
    %dma_start3A_59 = arith.constant 0 : i32
    %dma_start3A_60 = tpu.memref_slice %arg19[%dma_start3A_59] : memref<32xf32, #tpu.memory_space<vmem>> -> memref<16xf32, #tpu.memory_space<vmem>>
    %dma_start3A_61 = arith.constant 0 : i32
    %dma_start3A_62 = tpu.memref_slice %arg3[%dma_start3A_61] : memref<70016xf32, #tpu.memory_space<hbm>> -> memref<70016xf32, #tpu.memory_space<hbm>>
    tpu.enqueue_indirect_dma source(%dma_start3A_62 : memref<70016xf32, #tpu.memory_space<hbm>>) target(%dma_start3A_60 : memref<16xf32, #tpu.memory_space<vmem>>) offsets(%arg18 : memref<16xi32, #tpu.memory_space<vmem>>) semaphore(%arg22 : memref<!tpu.dma_semaphore, #tpu.memory_space<semaphore_mem>>)
    %dma_wait3A = arith.constant 0 : i32
    %dma_wait3A_63 = arith.constant 0 : i32
    %dma_wait3A_64 = tpu.memref_slice %arg20[%dma_wait3A, %dma_wait3A_63] : memref<128x128xf32, #tpu.memory_space<vmem>> -> memref<16x128xf32, #tpu.memory_space<vmem>>
    %dma_wait3A_65 = arith.constant 0 : i32
    %dma_wait3A_66 = arith.constant 0 : i32
    %dma_wait3A_67 = tpu.memref_slice %arg2[%dma_wait3A_65, %dma_wait3A_66] : memref<70000x128xf32, #tpu.memory_space<hbm>> -> memref<70000x128xf32, #tpu.memory_space<hbm>>
    tpu.wait_indirect_dma semaphore(%arg21 : memref<!tpu.dma_semaphore, #tpu.memory_space<semaphore_mem>>) src(%dma_wait3A_67 : memref<70000x128xf32, #tpu.memory_space<hbm>>) dst(%dma_wait3A_64 : memref<16x128xf32, #tpu.memory_space<vmem>>)
    %dma_wait3A_68 = arith.constant 0 : i32
    %dma_wait3A_69 = tpu.memref_slice %arg19[%dma_wait3A_68] : memref<32xf32, #tpu.memory_space<vmem>> -> memref<16xf32, #tpu.memory_space<vmem>>
    %dma_wait3A_70 = arith.constant 0 : i32
    %dma_wait3A_71 = tpu.memref_slice %arg3[%dma_wait3A_70] : memref<70016xf32, #tpu.memory_space<hbm>> -> memref<70016xf32, #tpu.memory_space<hbm>>
    tpu.wait_indirect_dma semaphore(%arg22 : memref<!tpu.dma_semaphore, #tpu.memory_space<semaphore_mem>>) src(%dma_wait3A_71 : memref<70016xf32, #tpu.memory_space<hbm>>) dst(%dma_wait3A_69 : memref<16xf32, #tpu.memory_space<vmem>>)
    %scan3A_72 = arith.constant 0 : i32
    %scan3A_73 = arith.constant 0 : i32
    %scan3A_74 = arith.constant 16 : i32
    %scan3A_75 = arith.addi %scan3A_73, %scan3A_74 : i32
    %scan3A_76 = arith.constant 1 : i32
    %scan3A_77 = scf.for %scan3A_100 = %scan3A_73 to %scan3A_75 step %scan3A_76 iter_args(%scan3A_101 = %scan3A_72) -> (i32)  : i32 {
      %get3A_102 = arith.index_cast %scan3A_100 : i32 to index
      %get3A_103 = tpu.vector_load %arg19[%get3A_102] {strides = array<i32>} : memref<32xf32, #tpu.memory_space<vmem>>, vector<16xf32>,
      %slice3A = vector.extract_strided_slice %get3A_103 {offsets = [0], sizes = [1], strides = [1]} : vector<16xf32> to vector<1xf32>
      %squeeze3A = vector.extract %slice3A[0] : f32 from vector<1xf32>
      %get3A_104 = arith.index_cast %scan3A_100 : i32 to index
      %get3A_105 = arith.constant 0 : index
      %get3A_106 = tpu.vector_load %arg20[%get3A_104, %get3A_105] {strides = array<i32>} : memref<128x128xf32, #tpu.memory_space<vmem>>, vector<16xf32>,
      %mul3A_107 = vector.broadcast %squeeze3A : f32 to vector<16xf32>
      %mul3A_108 = arith.mulf %get3A_106, %mul3A_107 : vector<16xf32>
      %swap3A_109 = arith.index_cast %scan3A_100 : i32 to index
      %swap3A_110 = arith.constant 0 : index
      %swap3A_111 = tpu.vector_load %arg20[%swap3A_109, %swap3A_110] {strides = array<i32>} : memref<128x128xf32, #tpu.memory_space<vmem>>, vector<16xf32>,
      tpu.vector_store %arg20[%swap3A_109, %swap3A_110], %mul3A_108 {strides = array<i32>} : memref<128x128xf32, #tpu.memory_space<vmem>>, vector<16xf32>,
      %get3A_112 = arith.index_cast %scan3A_100 : i32 to index
      %get3A_113 = arith.constant 16 : index
      %get3A_114 = tpu.vector_load %arg20[%get3A_112, %get3A_113] {strides = array<i32>} : memref<128x128xf32, #tpu.memory_space<vmem>>, vector<16xf32>,
      %mul3A_115 = vector.broadcast %squeeze3A : f32 to vector<16xf32>
      %mul3A_116 = arith.mulf %get3A_114, %mul3A_115 : vector<16xf32>
      %swap3A_117 = arith.index_cast %scan3A_100 : i32 to index
      %swap3A_118 = arith.constant 16 : index
      %swap3A_119 = tpu.vector_load %arg20[%swap3A_117, %swap3A_118] {strides = array<i32>} : memref<128x128xf32, #tpu.memory_space<vmem>>, vector<16xf32>,
      tpu.vector_store %arg20[%swap3A_117, %swap3A_118], %mul3A_116 {strides = array<i32>} : memref<128x128xf32, #tpu.memory_space<vmem>>, vector<16xf32>,
      %get3A_120 = arith.index_cast %scan3A_100 : i32 to index
      %get3A_121 = arith.constant 32 : index
      %get3A_122 = tpu.vector_load %arg20[%get3A_120, %get3A_121] {strides = array<i32>} : memref<128x128xf32, #tpu.memory_space<vmem>>, vector<16xf32>,
      %mul3A_123 = vector.broadcast %squeeze3A : f32 to vector<16xf32>
      %mul3A_124 = arith.mulf %get3A_122, %mul3A_123 : vector<16xf32>
      %swap3A_125 = arith.index_cast %scan3A_100 : i32 to index
      %swap3A_126 = arith.constant 32 : index
      %swap3A_127 = tpu.vector_load %arg20[%swap3A_125, %swap3A_126] {strides = array<i32>} : memref<128x128xf32, #tpu.memory_space<vmem>>, vector<16xf32>,
      tpu.vector_store %arg20[%swap3A_125, %swap3A_126], %mul3A_124 {strides = array<i32>} : memref<128x128xf32, #tpu.memory_space<vmem>>, vector<16xf32>,
      %get3A_128 = arith.index_cast %scan3A_100 : i32 to index
      %get3A_129 = arith.constant 48 : index
      %get3A_130 = tpu.vector_load %arg20[%get3A_128, %get3A_129] {strides = array<i32>} : memref<128x128xf32, #tpu.memory_space<vmem>>, vector<16xf32>,
      %mul3A_131 = vector.broadcast %squeeze3A : f32 to vector<16xf32>
      %mul3A_132 = arith.mulf %get3A_130, %mul3A_131 : vector<16xf32>
      %swap3A_133 = arith.index_cast %scan3A_100 : i32 to index
      %swap3A_134 = arith.constant 48 : index
      %swap3A_135 = tpu.vector_load %arg20[%swap3A_133, %swap3A_134] {strides = array<i32>} : memref<128x128xf32, #tpu.memory_space<vmem>>, vector<16xf32>,
      tpu.vector_store %arg20[%swap3A_133, %swap3A_134], %mul3A_132 {strides = array<i32>} : memref<128x128xf32, #tpu.memory_space<vmem>>, vector<16xf32>,
      %get3A_136 = arith.index_cast %scan3A_100 : i32 to index
      %get3A_137 = arith.constant 64 : index
      %get3A_138 = tpu.vector_load %arg20[%get3A_136, %get3A_137] {strides = array<i32>} : memref<128x128xf32, #tpu.memory_space<vmem>>, vector<16xf32>,
      %mul3A_139 = vector.broadcast %squeeze3A : f32 to vector<16xf32>
      %mul3A_140 = arith.mulf %get3A_138, %mul3A_139 : vector<16xf32>
      %swap3A_141 = arith.index_cast %scan3A_100 : i32 to index
      %swap3A_142 = arith.constant 64 : index
      %swap3A_143 = tpu.vector_load %arg20[%swap3A_141, %swap3A_142] {strides = array<i32>} : memref<128x128xf32, #tpu.memory_space<vmem>>, vector<16xf32>,
      tpu.vector_store %arg20[%swap3A_141, %swap3A_142], %mul3A_140 {strides = array<i32>} : memref<128x128xf32, #tpu.memory_space<vmem>>, vector<16xf32>,
      %get3A_144 = arith.index_cast %scan3A_100 : i32 to index
      %get3A_145 = arith.constant 80 : index
      %get3A_146 = tpu.vector_load %arg20[%get3A_144, %get3A_145] {strides = array<i32>} : memref<128x128xf32, #tpu.memory_space<vmem>>, vector<16xf32>,
      %mul3A_147 = vector.broadcast %squeeze3A : f32 to vector<16xf32>
      %mul3A_148 = arith.mulf %get3A_146, %mul3A_147 : vector<16xf32>
      %swap3A_149 = arith.index_cast %scan3A_100 : i32 to index
      %swap3A_150 = arith.constant 80 : index
      %swap3A_151 = tpu.vector_load %arg20[%swap3A_149, %swap3A_150] {strides = array<i32>} : memref<128x128xf32, #tpu.memory_space<vmem>>, vector<16xf32>,
      tpu.vector_store %arg20[%swap3A_149, %swap3A_150], %mul3A_148 {strides = array<i32>} : memref<128x128xf32, #tpu.memory_space<vmem>>, vector<16xf32>,
      %get3A_152 = arith.index_cast %scan3A_100 : i32 to index
      %get3A_153 = arith.constant 96 : index
      %get3A_154 = tpu.vector_load %arg20[%get3A_152, %get3A_153] {strides = array<i32>} : memref<128x128xf32, #tpu.memory_space<vmem>>, vector<16xf32>,
      %mul3A_155 = vector.broadcast %squeeze3A : f32 to vector<16xf32>
      %mul3A_156 = arith.mulf %get3A_154, %mul3A_155 : vector<16xf32>
      %swap3A_157 = arith.index_cast %scan3A_100 : i32 to index
      %swap3A_158 = arith.constant 96 : index
      %swap3A_159 = tpu.vector_load %arg20[%swap3A_157, %swap3A_158] {strides = array<i32>} : memref<128x128xf32, #tpu.memory_space<vmem>>, vector<16xf32>,
      tpu.vector_store %arg20[%swap3A_157, %swap3A_158], %mul3A_156 {strides = array<i32>} : memref<128x128xf32, #tpu.memory_space<vmem>>, vector<16xf32>,
      %get3A_160 = arith.index_cast %scan3A_100 : i32 to index
      %get3A_161 = arith.constant 112 : index
      %get3A_162 = tpu.vector_load %arg20[%get3A_160, %get3A_161] {strides = array<i32>} : memref<128x128xf32, #tpu.memory_space<vmem>>, vector<16xf32>,
      %mul3A_163 = vector.broadcast %squeeze3A : f32 to vector<16xf32>
      %mul3A_164 = arith.mulf %get3A_162, %mul3A_163 : vector<16xf32>
      %swap3A_165 = arith.index_cast %scan3A_100 : i32 to index
      %swap3A_166 = arith.constant 112 : index
      %swap3A_167 = tpu.vector_load %arg20[%swap3A_165, %swap3A_166] {strides = array<i32>} : memref<128x128xf32, #tpu.memory_space<vmem>>, vector<16xf32>,
      tpu.vector_store %arg20[%swap3A_165, %swap3A_166], %mul3A_164 {strides = array<i32>} : memref<128x128xf32, #tpu.memory_space<vmem>>, vector<16xf32>,
      %scan3A_168 = arith.constant 0 : i32
      scf.yield %scan3A_168 : i32
    }
    %scan3A_78 = arith.constant 16 : i32
    "tpu.region"() ({
      %run_scoped3A = tpu.sem_alloc : memref<!tpu.dma_semaphore, #tpu.memory_space<semaphore_mem>>
      %dma_start3A_100 = arith.constant 0 : i32
      %dma_start3A_101 = arith.constant 0 : i32
      %dma_start3A_102 = tpu.memref_slice %arg20[%dma_start3A_100, %dma_start3A_101] : memref<128x128xf32, #tpu.memory_space<vmem>> -> memref<16x128xf32, #tpu.memory_space<vmem>>
      %dma_start3A_103 = arith.constant 0 : i32
      %dma_start3A_104 = arith.constant 0 : i32
      %dma_start3A_105 = tpu.memref_slice %arg23[%dma_start3A_103, %dma_start3A_104] : memref<10240x128xf32, #tpu.memory_space<vmem_shared>> -> memref<10240x128xf32, #tpu.memory_space<vmem_shared>>
      tpu.enqueue_indirect_dma source(%dma_start3A_102 : memref<16x128xf32, #tpu.memory_space<vmem>>) target(%dma_start3A_105 : memref<10240x128xf32, #tpu.memory_space<vmem_shared>>) offsets(%arg14 : memref<16xi32, #tpu.memory_space<vmem>>) semaphore(%run_scoped3A : memref<!tpu.dma_semaphore, #tpu.memory_space<semaphore_mem>>) {add = true}
      %dma_wait3A_106 = arith.constant 0 : i32
      %dma_wait3A_107 = arith.constant 0 : i32
      %dma_wait3A_108 = tpu.memref_slice %arg20[%dma_wait3A_106, %dma_wait3A_107] : memref<128x128xf32, #tpu.memory_space<vmem>> -> memref<16x128xf32, #tpu.memory_space<vmem>>
      %dma_wait3A_109 = arith.constant 0 : i32
      %dma_wait3A_110 = arith.constant 0 : i32
      %dma_wait3A_111 = tpu.memref_slice %arg23[%dma_wait3A_109, %dma_wait3A_110] : memref<10240x128xf32, #tpu.memory_space<vmem_shared>> -> memref<10240x128xf32, #tpu.memory_space<vmem_shared>>
      tpu.wait_indirect_dma semaphore(%run_scoped3A : memref<!tpu.dma_semaphore, #tpu.memory_space<semaphore_mem>>) src(%dma_wait3A_108 : memref<16x128xf32, #tpu.memory_space<vmem>>) dst(%dma_wait3A_111 : memref<10240x128xf32, #tpu.memory_space<vmem_shared>>)
      tpu.yield
    }) : () -> ()
    %barrier3A_79 = arith.constant 0 : index
    tpu.barrier barrier_id(%barrier3A_79)
    %mul3A_80 = arith.constant 640 : i32
    %mul3A_81 = arith.muli %arg1, %mul3A_80 : i32
    %add3A_82 = arith.constant 0 : i32
    %add3A_83 = arith.addi %mul3A_81, %add3A_82 : i32
    "tpu.region"() ({
      %run_scoped3A = tpu.sem_alloc : memref<!tpu.dma_semaphore, #tpu.memory_space<semaphore_mem>>
      %dma_start3A_100 = arith.constant 0 : i32
      %dma_start3A_101 = tpu.memref_slice %arg23[%add3A_83, %dma_start3A_100] : memref<10240x128xf32, #tpu.memory_space<vmem_shared>> -> memref<128x128xf32, #tpu.memory_space<vmem_shared>>
      %dma_start3A_102 = arith.constant 0 : i32
      %dma_start3A_103 = tpu.memref_slice %arg23[%add3A_83, %dma_start3A_102] : memref<10240x128xf32, #tpu.memory_space<vmem_shared>> -> memref<128x128xf32, #tpu.memory_space<vmem_shared>>
      tpu.enqueue_dma source(%dma_start3A_103 : memref<128x128xf32, #tpu.memory_space<vmem_shared>>) target(%arg20 : memref<128x128xf32, #tpu.memory_space<vmem>>) target_semaphore(%run_scoped3A : memref<!tpu.dma_semaphore, #tpu.memory_space<semaphore_mem>>)
      %dma_wait3A_104 = arith.constant 0 : i32
      %dma_wait3A_105 = tpu.memref_slice %arg23[%add3A_83, %dma_wait3A_104] : memref<10240x128xf32, #tpu.memory_space<vmem_shared>> -> memref<128x128xf32, #tpu.memory_space<vmem_shared>>
      %dma_wait3A_106 = arith.constant 0 : i32
      %dma_wait3A_107 = tpu.memref_slice %arg23[%add3A_83, %dma_wait3A_106] : memref<10240x128xf32, #tpu.memory_space<vmem_shared>> -> memref<128x128xf32, #tpu.memory_space<vmem_shared>>
      tpu.wait_dma2 semaphore(%run_scoped3A : memref<!tpu.dma_semaphore, #tpu.memory_space<semaphore_mem>>) src(%dma_wait3A_107 : memref<128x128xf32, #tpu.memory_space<vmem_shared>>) dst(%arg20 : memref<128x128xf32, #tpu.memory_space<vmem>>)
      tpu.yield
    }) : () -> ()
    "tpu.region"() ({
      %run_scoped3A = tpu.sem_alloc : memref<!tpu.dma_semaphore, #tpu.memory_space<semaphore_mem>>
      %dma_start3A_100 = arith.constant 0 : i32
      %dma_start3A_101 = tpu.memref_slice %arg7[%arg0, %add3A_83, %dma_start3A_100] : memref<2x10240x128xf32, #tpu.memory_space<hbm>> -> memref<1x128x128xf32, #tpu.memory_space<hbm>>
      %dma_start3A_102 = tpu.memref_squeeze %dma_start3A_101 : memref<1x128x128xf32, #tpu.memory_space<hbm>> -> memref<128x128xf32, #tpu.memory_space<hbm>>
      %dma_start3A_103 = arith.constant 0 : i32
      %dma_start3A_104 = tpu.memref_slice %arg7[%arg0, %add3A_83, %dma_start3A_103] : memref<2x10240x128xf32, #tpu.memory_space<hbm>> -> memref<1x128x128xf32, #tpu.memory_space<hbm>>
      %dma_start3A_105 = tpu.memref_squeeze %dma_start3A_104 : memref<1x128x128xf32, #tpu.memory_space<hbm>> -> memref<128x128xf32, #tpu.memory_space<hbm>>
      tpu.enqueue_dma source(%arg20 : memref<128x128xf32, #tpu.memory_space<vmem>>) target(%dma_start3A_105 : memref<128x128xf32, #tpu.memory_space<hbm>>) target_semaphore(%run_scoped3A : memref<!tpu.dma_semaphore, #tpu.memory_space<semaphore_mem>>)
      %dma_wait3A_106 = arith.constant 0 : i32
      %dma_wait3A_107 = tpu.memref_slice %arg7[%arg0, %add3A_83, %dma_wait3A_106] : memref<2x10240x128xf32, #tpu.memory_space<hbm>> -> memref<1x128x128xf32, #tpu.memory_space<hbm>>
      %dma_wait3A_108 = tpu.memref_squeeze %dma_wait3A_107 : memref<1x128x128xf32, #tpu.memory_space<hbm>> -> memref<128x128xf32, #tpu.memory_space<hbm>>
      %dma_wait3A_109 = arith.constant 0 : i32
      %dma_wait3A_110 = tpu.memref_slice %arg7[%arg0, %add3A_83, %dma_wait3A_109] : memref<2x10240x128xf32, #tpu.memory_space<hbm>> -> memref<1x128x128xf32, #tpu.memory_space<hbm>>
      %dma_wait3A_111 = tpu.memref_squeeze %dma_wait3A_110 : memref<1x128x128xf32, #tpu.memory_space<hbm>> -> memref<128x128xf32, #tpu.memory_space<hbm>>
      tpu.wait_dma2 semaphore(%run_scoped3A : memref<!tpu.dma_semaphore, #tpu.memory_space<semaphore_mem>>) src(%arg20 : memref<128x128xf32, #tpu.memory_space<vmem>>) dst(%dma_wait3A_111 : memref<128x128xf32, #tpu.memory_space<hbm>>)
      tpu.yield
    }) : () -> ()
    %mul3A_84 = arith.constant 640 : i32
    %mul3A_85 = arith.muli %arg1, %mul3A_84 : i32
    %add3A_86 = arith.constant 128 : i32
    %add3A_87 = arith.addi %mul3A_85, %add3A_86 : i32
    "tpu.region"() ({
      %run_scoped3A = tpu.sem_alloc : memref<!tpu.dma_semaphore, #tpu.memory_space<semaphore_mem>>
      %dma_start3A_100 = arith.constant 0 : i32
      %dma_start3A_101 = tpu.memref_slice %arg23[%add3A_87, %dma_start3A_100] : memref<10240x128xf32, #tpu.memory_space<vmem_shared>> -> memref<128x128xf32, #tpu.memory_space<vmem_shared>>
      %dma_start3A_102 = arith.constant 0 : i32
      %dma_start3A_103 = tpu.memref_slice %arg23[%add3A_87, %dma_start3A_102] : memref<10240x128xf32, #tpu.memory_space<vmem_shared>> -> memref<128x128xf32, #tpu.memory_space<vmem_shared>>
      tpu.enqueue_dma source(%dma_start3A_103 : memref<128x128xf32, #tpu.memory_space<vmem_shared>>) target(%arg20 : memref<128x128xf32, #tpu.memory_space<vmem>>) target_semaphore(%run_scoped3A : memref<!tpu.dma_semaphore, #tpu.memory_space<semaphore_mem>>)
      %dma_wait3A_104 = arith.constant 0 : i32
      %dma_wait3A_105 = tpu.memref_slice %arg23[%add3A_87, %dma_wait3A_104] : memref<10240x128xf32, #tpu.memory_space<vmem_shared>> -> memref<128x128xf32, #tpu.memory_space<vmem_shared>>
      %dma_wait3A_106 = arith.constant 0 : i32
      %dma_wait3A_107 = tpu.memref_slice %arg23[%add3A_87, %dma_wait3A_106] : memref<10240x128xf32, #tpu.memory_space<vmem_shared>> -> memref<128x128xf32, #tpu.memory_space<vmem_shared>>
      tpu.wait_dma2 semaphore(%run_scoped3A : memref<!tpu.dma_semaphore, #tpu.memory_space<semaphore_mem>>) src(%dma_wait3A_107 : memref<128x128xf32, #tpu.memory_space<vmem_shared>>) dst(%arg20 : memref<128x128xf32, #tpu.memory_space<vmem>>)
      tpu.yield
    }) : () -> ()
    "tpu.region"() ({
      %run_scoped3A = tpu.sem_alloc : memref<!tpu.dma_semaphore, #tpu.memory_space<semaphore_mem>>
      %dma_start3A_100 = arith.constant 0 : i32
      %dma_start3A_101 = tpu.memref_slice %arg7[%arg0, %add3A_87, %dma_start3A_100] : memref<2x10240x128xf32, #tpu.memory_space<hbm>> -> memref<1x128x128xf32, #tpu.memory_space<hbm>>
      %dma_start3A_102 = tpu.memref_squeeze %dma_start3A_101 : memref<1x128x128xf32, #tpu.memory_space<hbm>> -> memref<128x128xf32, #tpu.memory_space<hbm>>
      %dma_start3A_103 = arith.constant 0 : i32
      %dma_start3A_104 = tpu.memref_slice %arg7[%arg0, %add3A_87, %dma_start3A_103] : memref<2x10240x128xf32, #tpu.memory_space<hbm>> -> memref<1x128x128xf32, #tpu.memory_space<hbm>>
      %dma_start3A_105 = tpu.memref_squeeze %dma_start3A_104 : memref<1x128x128xf32, #tpu.memory_space<hbm>> -> memref<128x128xf32, #tpu.memory_space<hbm>>
      tpu.enqueue_dma source(%arg20 : memref<128x128xf32, #tpu.memory_space<vmem>>) target(%dma_start3A_105 : memref<128x128xf32, #tpu.memory_space<hbm>>) target_semaphore(%run_scoped3A : memref<!tpu.dma_semaphore, #tpu.memory_space<semaphore_mem>>)
      %dma_wait3A_106 = arith.constant 0 : i32
      %dma_wait3A_107 = tpu.memref_slice %arg7[%arg0, %add3A_87, %dma_wait3A_106] : memref<2x10240x128xf32, #tpu.memory_space<hbm>> -> memref<1x128x128xf32, #tpu.memory_space<hbm>>
      %dma_wait3A_108 = tpu.memref_squeeze %dma_wait3A_107 : memref<1x128x128xf32, #tpu.memory_space<hbm>> -> memref<128x128xf32, #tpu.memory_space<hbm>>
      %dma_wait3A_109 = arith.constant 0 : i32
      %dma_wait3A_110 = tpu.memref_slice %arg7[%arg0, %add3A_87, %dma_wait3A_109] : memref<2x10240x128xf32, #tpu.memory_space<hbm>> -> memref<1x128x128xf32, #tpu.memory_space<hbm>>
      %dma_wait3A_111 = tpu.memref_squeeze %dma_wait3A_110 : memref<1x128x128xf32, #tpu.memory_space<hbm>> -> memref<128x128xf32, #tpu.memory_space<hbm>>
      tpu.wait_dma2 semaphore(%run_scoped3A : memref<!tpu.dma_semaphore, #tpu.memory_space<semaphore_mem>>) src(%arg20 : memref<128x128xf32, #tpu.memory_space<vmem>>) dst(%dma_wait3A_111 : memref<128x128xf32, #tpu.memory_space<hbm>>)
      tpu.yield
    }) : () -> ()
    %mul3A_88 = arith.constant 640 : i32
    %mul3A_89 = arith.muli %arg1, %mul3A_88 : i32
    %add3A_90 = arith.constant 256 : i32
    %add3A_91 = arith.addi %mul3A_89, %add3A_90 : i32
    "tpu.region"() ({
      %run_scoped3A = tpu.sem_alloc : memref<!tpu.dma_semaphore, #tpu.memory_space<semaphore_mem>>
      %dma_start3A_100 = arith.constant 0 : i32
      %dma_start3A_101 = tpu.memref_slice %arg23[%add3A_91, %dma_start3A_100] : memref<10240x128xf32, #tpu.memory_space<vmem_shared>> -> memref<128x128xf32, #tpu.memory_space<vmem_shared>>
      %dma_start3A_102 = arith.constant 0 : i32
      %dma_start3A_103 = tpu.memref_slice %arg23[%add3A_91, %dma_start3A_102] : memref<10240x128xf32, #tpu.memory_space<vmem_shared>> -> memref<128x128xf32, #tpu.memory_space<vmem_shared>>
      tpu.enqueue_dma source(%dma_start3A_103 : memref<128x128xf32, #tpu.memory_space<vmem_shared>>) target(%arg20 : memref<128x128xf32, #tpu.memory_space<vmem>>) target_semaphore(%run_scoped3A : memref<!tpu.dma_semaphore, #tpu.memory_space<semaphore_mem>>)
      %dma_wait3A_104 = arith.constant 0 : i32
      %dma_wait3A_105 = tpu.memref_slice %arg23[%add3A_91, %dma_wait3A_104] : memref<10240x128xf32, #tpu.memory_space<vmem_shared>> -> memref<128x128xf32, #tpu.memory_space<vmem_shared>>
      %dma_wait3A_106 = arith.constant 0 : i32
      %dma_wait3A_107 = tpu.memref_slice %arg23[%add3A_91, %dma_wait3A_106] : memref<10240x128xf32, #tpu.memory_space<vmem_shared>> -> memref<128x128xf32, #tpu.memory_space<vmem_shared>>
      tpu.wait_dma2 semaphore(%run_scoped3A : memref<!tpu.dma_semaphore, #tpu.memory_space<semaphore_mem>>) src(%dma_wait3A_107 : memref<128x128xf32, #tpu.memory_space<vmem_shared>>) dst(%arg20 : memref<128x128xf32, #tpu.memory_space<vmem>>)
      tpu.yield
    }) : () -> ()
    "tpu.region"() ({
      %run_scoped3A = tpu.sem_alloc : memref<!tpu.dma_semaphore, #tpu.memory_space<semaphore_mem>>
      %dma_start3A_100 = arith.constant 0 : i32
      %dma_start3A_101 = tpu.memref_slice %arg7[%arg0, %add3A_91, %dma_start3A_100] : memref<2x10240x128xf32, #tpu.memory_space<hbm>> -> memref<1x128x128xf32, #tpu.memory_space<hbm>>
      %dma_start3A_102 = tpu.memref_squeeze %dma_start3A_101 : memref<1x128x128xf32, #tpu.memory_space<hbm>> -> memref<128x128xf32, #tpu.memory_space<hbm>>
      %dma_start3A_103 = arith.constant 0 : i32
      %dma_start3A_104 = tpu.memref_slice %arg7[%arg0, %add3A_91, %dma_start3A_103] : memref<2x10240x128xf32, #tpu.memory_space<hbm>> -> memref<1x128x128xf32, #tpu.memory_space<hbm>>
      %dma_start3A_105 = tpu.memref_squeeze %dma_start3A_104 : memref<1x128x128xf32, #tpu.memory_space<hbm>> -> memref<128x128xf32, #tpu.memory_space<hbm>>
      tpu.enqueue_dma source(%arg20 : memref<128x128xf32, #tpu.memory_space<vmem>>) target(%dma_start3A_105 : memref<128x128xf32, #tpu.memory_space<hbm>>) target_semaphore(%run_scoped3A : memref<!tpu.dma_semaphore, #tpu.memory_space<semaphore_mem>>)
      %dma_wait3A_106 = arith.constant 0 : i32
      %dma_wait3A_107 = tpu.memref_slice %arg7[%arg0, %add3A_91, %dma_wait3A_106] : memref<2x10240x128xf32, #tpu.memory_space<hbm>> -> memref<1x128x128xf32, #tpu.memory_space<hbm>>
      %dma_wait3A_108 = tpu.memref_squeeze %dma_wait3A_107 : memref<1x128x128xf32, #tpu.memory_space<hbm>> -> memref<128x128xf32, #tpu.memory_space<hbm>>
      %dma_wait3A_109 = arith.constant 0 : i32
      %dma_wait3A_110 = tpu.memref_slice %arg7[%arg0, %add3A_91, %dma_wait3A_109] : memref<2x10240x128xf32, #tpu.memory_space<hbm>> -> memref<1x128x128xf32, #tpu.memory_space<hbm>>
      %dma_wait3A_111 = tpu.memref_squeeze %dma_wait3A_110 : memref<1x128x128xf32, #tpu.memory_space<hbm>> -> memref<128x128xf32, #tpu.memory_space<hbm>>
      tpu.wait_dma2 semaphore(%run_scoped3A : memref<!tpu.dma_semaphore, #tpu.memory_space<semaphore_mem>>) src(%arg20 : memref<128x128xf32, #tpu.memory_space<vmem>>) dst(%dma_wait3A_111 : memref<128x128xf32, #tpu.memory_space<hbm>>)
      tpu.yield
    }) : () -> ()
    %mul3A_92 = arith.constant 640 : i32
    %mul3A_93 = arith.muli %arg1, %mul3A_92 : i32
    %add3A_94 = arith.constant 384 : i32
    %add3A_95 = arith.addi %mul3A_93, %add3A_94 : i32
    "tpu.region"() ({
      %run_scoped3A = tpu.sem_alloc : memref<!tpu.dma_semaphore, #tpu.memory_space<semaphore_mem>>
      %dma_start3A_100 = arith.constant 0 : i32
      %dma_start3A_101 = tpu.memref_slice %arg23[%add3A_95, %dma_start3A_100] : memref<10240x128xf32, #tpu.memory_space<vmem_shared>> -> memref<128x128xf32, #tpu.memory_space<vmem_shared>>
      %dma_start3A_102 = arith.constant 0 : i32
      %dma_start3A_103 = tpu.memref_slice %arg23[%add3A_95, %dma_start3A_102] : memref<10240x128xf32, #tpu.memory_space<vmem_shared>> -> memref<128x128xf32, #tpu.memory_space<vmem_shared>>
      tpu.enqueue_dma source(%dma_start3A_103 : memref<128x128xf32, #tpu.memory_space<vmem_shared>>) target(%arg20 : memref<128x128xf32, #tpu.memory_space<vmem>>) target_semaphore(%run_scoped3A : memref<!tpu.dma_semaphore, #tpu.memory_space<semaphore_mem>>)
      %dma_wait3A_104 = arith.constant 0 : i32
      %dma_wait3A_105 = tpu.memref_slice %arg23[%add3A_95, %dma_wait3A_104] : memref<10240x128xf32, #tpu.memory_space<vmem_shared>> -> memref<128x128xf32, #tpu.memory_space<vmem_shared>>
      %dma_wait3A_106 = arith.constant 0 : i32
      %dma_wait3A_107 = tpu.memref_slice %arg23[%add3A_95, %dma_wait3A_106] : memref<10240x128xf32, #tpu.memory_space<vmem_shared>> -> memref<128x128xf32, #tpu.memory_space<vmem_shared>>
      tpu.wait_dma2 semaphore(%run_scoped3A : memref<!tpu.dma_semaphore, #tpu.memory_space<semaphore_mem>>) src(%dma_wait3A_107 : memref<128x128xf32, #tpu.memory_space<vmem_shared>>) dst(%arg20 : memref<128x128xf32, #tpu.memory_space<vmem>>)
      tpu.yield
    }) : () -> ()
    "tpu.region"() ({
      %run_scoped3A = tpu.sem_alloc : memref<!tpu.dma_semaphore, #tpu.memory_space<semaphore_mem>>
      %dma_start3A_100 = arith.constant 0 : i32
      %dma_start3A_101 = tpu.memref_slice %arg7[%arg0, %add3A_95, %dma_start3A_100] : memref<2x10240x128xf32, #tpu.memory_space<hbm>> -> memref<1x128x128xf32, #tpu.memory_space<hbm>>
      %dma_start3A_102 = tpu.memref_squeeze %dma_start3A_101 : memref<1x128x128xf32, #tpu.memory_space<hbm>> -> memref<128x128xf32, #tpu.memory_space<hbm>>
      %dma_start3A_103 = arith.constant 0 : i32
      %dma_start3A_104 = tpu.memref_slice %arg7[%arg0, %add3A_95, %dma_start3A_103] : memref<2x10240x128xf32, #tpu.memory_space<hbm>> -> memref<1x128x128xf32, #tpu.memory_space<hbm>>
      %dma_start3A_105 = tpu.memref_squeeze %dma_start3A_104 : memref<1x128x128xf32, #tpu.memory_space<hbm>> -> memref<128x128xf32, #tpu.memory_space<hbm>>
      tpu.enqueue_dma source(%arg20 : memref<128x128xf32, #tpu.memory_space<vmem>>) target(%dma_start3A_105 : memref<128x128xf32, #tpu.memory_space<hbm>>) target_semaphore(%run_scoped3A : memref<!tpu.dma_semaphore, #tpu.memory_space<semaphore_mem>>)
      %dma_wait3A_106 = arith.constant 0 : i32
      %dma_wait3A_107 = tpu.memref_slice %arg7[%arg0, %add3A_95, %dma_wait3A_106] : memref<2x10240x128xf32, #tpu.memory_space<hbm>> -> memref<1x128x128xf32, #tpu.memory_space<hbm>>
      %dma_wait3A_108 = tpu.memref_squeeze %dma_wait3A_107 : memref<1x128x128xf32, #tpu.memory_space<hbm>> -> memref<128x128xf32, #tpu.memory_space<hbm>>
      %dma_wait3A_109 = arith.constant 0 : i32
      %dma_wait3A_110 = tpu.memref_slice %arg7[%arg0, %add3A_95, %dma_wait3A_109] : memref<2x10240x128xf32, #tpu.memory_space<hbm>> -> memref<1x128x128xf32, #tpu.memory_space<hbm>>
      %dma_wait3A_111 = tpu.memref_squeeze %dma_wait3A_110 : memref<1x128x128xf32, #tpu.memory_space<hbm>> -> memref<128x128xf32, #tpu.memory_space<hbm>>
      tpu.wait_dma2 semaphore(%run_scoped3A : memref<!tpu.dma_semaphore, #tpu.memory_space<semaphore_mem>>) src(%arg20 : memref<128x128xf32, #tpu.memory_space<vmem>>) dst(%dma_wait3A_111 : memref<128x128xf32, #tpu.memory_space<hbm>>)
      tpu.yield
    }) : () -> ()
    %mul3A_96 = arith.constant 640 : i32
    %mul3A_97 = arith.muli %arg1, %mul3A_96 : i32
    %add3A_98 = arith.constant 512 : i32
    %add3A_99 = arith.addi %mul3A_97, %add3A_98 : i32
    "tpu.region"() ({
      %run_scoped3A = tpu.sem_alloc : memref<!tpu.dma_semaphore, #tpu.memory_space<semaphore_mem>>
      %dma_start3A_100 = arith.constant 0 : i32
      %dma_start3A_101 = tpu.memref_slice %arg23[%add3A_99, %dma_start3A_100] : memref<10240x128xf32, #tpu.memory_space<vmem_shared>> -> memref<128x128xf32, #tpu.memory_space<vmem_shared>>
      %dma_start3A_102 = arith.constant 0 : i32
      %dma_start3A_103 = tpu.memref_slice %arg23[%add3A_99, %dma_start3A_102] : memref<10240x128xf32, #tpu.memory_space<vmem_shared>> -> memref<128x128xf32, #tpu.memory_space<vmem_shared>>
      tpu.enqueue_dma source(%dma_start3A_103 : memref<128x128xf32, #tpu.memory_space<vmem_shared>>) target(%arg20 : memref<128x128xf32, #tpu.memory_space<vmem>>) target_semaphore(%run_scoped3A : memref<!tpu.dma_semaphore, #tpu.memory_space<semaphore_mem>>)
      %dma_wait3A_104 = arith.constant 0 : i32
      %dma_wait3A_105 = tpu.memref_slice %arg23[%add3A_99, %dma_wait3A_104] : memref<10240x128xf32, #tpu.memory_space<vmem_shared>> -> memref<128x128xf32, #tpu.memory_space<vmem_shared>>
      %dma_wait3A_106 = arith.constant 0 : i32
      %dma_wait3A_107 = tpu.memref_slice %arg23[%add3A_99, %dma_wait3A_106] : memref<10240x128xf32, #tpu.memory_space<vmem_shared>> -> memref<128x128xf32, #tpu.memory_space<vmem_shared>>
      tpu.wait_dma2 semaphore(%run_scoped3A : memref<!tpu.dma_semaphore, #tpu.memory_space<semaphore_mem>>) src(%dma_wait3A_107 : memref<128x128xf32, #tpu.memory_space<vmem_shared>>) dst(%arg20 : memref<128x128xf32, #tpu.memory_space<vmem>>)
      tpu.yield
    }) : () -> ()
    "tpu.region"() ({
      %run_scoped3A = tpu.sem_alloc : memref<!tpu.dma_semaphore, #tpu.memory_space<semaphore_mem>>
      %dma_start3A_100 = arith.constant 0 : i32
      %dma_start3A_101 = tpu.memref_slice %arg7[%arg0, %add3A_99, %dma_start3A_100] : memref<2x10240x128xf32, #tpu.memory_space<hbm>> -> memref<1x128x128xf32, #tpu.memory_space<hbm>>
      %dma_start3A_102 = tpu.memref_squeeze %dma_start3A_101 : memref<1x128x128xf32, #tpu.memory_space<hbm>> -> memref<128x128xf32, #tpu.memory_space<hbm>>
      %dma_start3A_103 = arith.constant 0 : i32
      %dma_start3A_104 = tpu.memref_slice %arg7[%arg0, %add3A_99, %dma_start3A_103] : memref<2x10240x128xf32, #tpu.memory_space<hbm>> -> memref<1x128x128xf32, #tpu.memory_space<hbm>>
      %dma_start3A_105 = tpu.memref_squeeze %dma_start3A_104 : memref<1x128x128xf32, #tpu.memory_space<hbm>> -> memref<128x128xf32, #tpu.memory_space<hbm>>
      tpu.enqueue_dma source(%arg20 : memref<128x128xf32, #tpu.memory_space<vmem>>) target(%dma_start3A_105 : memref<128x128xf32, #tpu.memory_space<hbm>>) target_semaphore(%run_scoped3A : memref<!tpu.dma_semaphore, #tpu.memory_space<semaphore_mem>>)
      %dma_wait3A_106 = arith.constant 0 : i32
      %dma_wait3A_107 = tpu.memref_slice %arg7[%arg0, %add3A_99, %dma_wait3A_106] : memref<2x10240x128xf32, #tpu.memory_space<hbm>> -> memref<1x128x128xf32, #tpu.memory_space<hbm>>
      %dma_wait3A_108 = tpu.memref_squeeze %dma_wait3A_107 : memref<1x128x128xf32, #tpu.memory_space<hbm>> -> memref<128x128xf32, #tpu.memory_space<hbm>>
      %dma_wait3A_109 = arith.constant 0 : i32
      %dma_wait3A_110 = tpu.memref_slice %arg7[%arg0, %add3A_99, %dma_wait3A_109] : memref<2x10240x128xf32, #tpu.memory_space<hbm>> -> memref<1x128x128xf32, #tpu.memory_space<hbm>>
      %dma_wait3A_111 = tpu.memref_squeeze %dma_wait3A_110 : memref<1x128x128xf32, #tpu.memory_space<hbm>> -> memref<128x128xf32, #tpu.memory_space<hbm>>
      tpu.wait_dma2 semaphore(%run_scoped3A : memref<!tpu.dma_semaphore, #tpu.memory_space<semaphore_mem>>) src(%arg20 : memref<128x128xf32, #tpu.memory_space<vmem>>) dst(%dma_wait3A_111 : memref<128x128xf32, #tpu.memory_space<hbm>>)
      tpu.yield
    }) : () -> ()
    return
  }
}

module attributes {stable_mosaic.version = 14 : i64} {
  func.func @_mm_body(%arg0: i32, %arg1: memref<1000x128xf32, #tpu.memory_space<vmem>>, %arg2: memref<896x128xf32, #tpu.memory_space<vmem>>, %arg3: memref<1000x896xf32, #tpu.memory_space<vmem>>, %arg4: memref<1000x128xf32, #tpu.memory_space<vmem>>) attributes {dimension_semantics = [#tpu.dimension_semantics<arbitrary>], iteration_bounds = array<i64: 10>, scalar_prefetch = 0 : i64, scratch_operands = 0 : i64, tpu.core_type = #tpu.core_type<tc>, window_params = [{transform_indices = @transform_0, window_bounds = array<i64: 1000, 128>}, {pipeline_mode = #tpu.pipeline_mode<synchronous>, transform_indices = @transform_1, window_bounds = array<i64: 896, 128>}, {transform_indices = @transform_2, window_bounds = array<i64: 1000, 896>}, {transform_indices = @transform_3, window_bounds = array<i64: 1000, 128>}]} {
    %get3A = arith.constant 0 : index
    %get3A_0 = arith.constant 0 : index
    %get3A_1 = vector.load %arg1[%get3A, %get3A_0] : memref<1000x128xf32, #tpu.memory_space<vmem>>, vector<1000x128xf32>
    %get3A_2 = arith.constant 0 : index
    %get3A_3 = arith.constant 0 : index
    %get3A_4 = vector.load %arg2[%get3A_2, %get3A_3] : memref<896x128xf32, #tpu.memory_space<vmem>>, vector<128x128xf32>
    %dot_general3A = arith.constant dense<0.000000e+00> : vector<1000x128xf32>
    %dot_general3A_5 = tpu.matmul %get3A_1, %get3A_4, %dot_general3A {dimension_numbers = #tpu.dot_dimension_numbers<[1], [0], [0], [1], [0, 0, 1, 1], [], []>, transpose_lhs_hint = false} : vector<1000x128xf32>, vector<128x128xf32>, vector<1000x128xf32> -> vector<1000x128xf32>
    %get3A_6 = arith.constant 128 : index
    %get3A_7 = arith.constant 0 : index
    %get3A_8 = vector.load %arg2[%get3A_6, %get3A_7] : memref<896x128xf32, #tpu.memory_space<vmem>>, vector<128x128xf32>
    %dot_general3A_9 = arith.constant dense<0.000000e+00> : vector<1000x128xf32>
    %dot_general3A_10 = tpu.matmul %get3A_1, %get3A_8, %dot_general3A_9 {dimension_numbers = #tpu.dot_dimension_numbers<[1], [0], [0], [1], [0, 0, 1, 1], [], []>, transpose_lhs_hint = false} : vector<1000x128xf32>, vector<128x128xf32>, vector<1000x128xf32> -> vector<1000x128xf32>
    %get3A_11 = arith.constant 256 : index
    %get3A_12 = arith.constant 0 : index
    %get3A_13 = vector.load %arg2[%get3A_11, %get3A_12] : memref<896x128xf32, #tpu.memory_space<vmem>>, vector<128x128xf32>
    %dot_general3A_14 = arith.constant dense<0.000000e+00> : vector<1000x128xf32>
    %dot_general3A_15 = tpu.matmul %get3A_1, %get3A_13, %dot_general3A_14 {dimension_numbers = #tpu.dot_dimension_numbers<[1], [0], [0], [1], [0, 0, 1, 1], [], []>, transpose_lhs_hint = false} : vector<1000x128xf32>, vector<128x128xf32>, vector<1000x128xf32> -> vector<1000x128xf32>
    %get3A_16 = arith.constant 384 : index
    %get3A_17 = arith.constant 0 : index
    %get3A_18 = vector.load %arg2[%get3A_16, %get3A_17] : memref<896x128xf32, #tpu.memory_space<vmem>>, vector<128x128xf32>
    %dot_general3A_19 = arith.constant dense<0.000000e+00> : vector<1000x128xf32>
    %dot_general3A_20 = tpu.matmul %get3A_1, %get3A_18, %dot_general3A_19 {dimension_numbers = #tpu.dot_dimension_numbers<[1], [0], [0], [1], [0, 0, 1, 1], [], []>, transpose_lhs_hint = false} : vector<1000x128xf32>, vector<128x128xf32>, vector<1000x128xf32> -> vector<1000x128xf32>
    %get3A_21 = arith.constant 512 : index
    %get3A_22 = arith.constant 0 : index
    %get3A_23 = vector.load %arg2[%get3A_21, %get3A_22] : memref<896x128xf32, #tpu.memory_space<vmem>>, vector<128x128xf32>
    %dot_general3A_24 = arith.constant dense<0.000000e+00> : vector<1000x128xf32>
    %dot_general3A_25 = tpu.matmul %get3A_1, %get3A_23, %dot_general3A_24 {dimension_numbers = #tpu.dot_dimension_numbers<[1], [0], [0], [1], [0, 0, 1, 1], [], []>, transpose_lhs_hint = false} : vector<1000x128xf32>, vector<128x128xf32>, vector<1000x128xf32> -> vector<1000x128xf32>
    %get3A_26 = arith.constant 640 : index
    %get3A_27 = arith.constant 0 : index
    %get3A_28 = vector.load %arg2[%get3A_26, %get3A_27] : memref<896x128xf32, #tpu.memory_space<vmem>>, vector<128x128xf32>
    %dot_general3A_29 = arith.constant dense<0.000000e+00> : vector<1000x128xf32>
    %dot_general3A_30 = tpu.matmul %get3A_1, %get3A_28, %dot_general3A_29 {dimension_numbers = #tpu.dot_dimension_numbers<[1], [0], [0], [1], [0, 0, 1, 1], [], []>, transpose_lhs_hint = false} : vector<1000x128xf32>, vector<128x128xf32>, vector<1000x128xf32> -> vector<1000x128xf32>
    %get3A_31 = arith.constant 768 : index
    %get3A_32 = arith.constant 0 : index
    %get3A_33 = vector.load %arg2[%get3A_31, %get3A_32] : memref<896x128xf32, #tpu.memory_space<vmem>>, vector<128x128xf32>
    %dot_general3A_34 = arith.constant dense<0.000000e+00> : vector<1000x128xf32>
    %dot_general3A_35 = tpu.matmul %get3A_1, %get3A_33, %dot_general3A_34 {dimension_numbers = #tpu.dot_dimension_numbers<[1], [0], [0], [1], [0, 0, 1, 1], [], []>, transpose_lhs_hint = false} : vector<1000x128xf32>, vector<128x128xf32>, vector<1000x128xf32> -> vector<1000x128xf32>
    %concatenate3A = tpu.concatenate %dot_general3A_5, %dot_general3A_10, %dot_general3A_15, %dot_general3A_20, %dot_general3A_25, %dot_general3A_30, %dot_general3A_35 in 1 : vector<1000x128xf32>, vector<1000x128xf32>, vector<1000x128xf32>, vector<1000x128xf32>, vector<1000x128xf32>, vector<1000x128xf32>, vector<1000x128xf32> -> vector<1000x896xf32>
    %swap3A = arith.constant 0 : index
    %swap3A_36 = arith.constant 0 : index
    %swap3A_37 = vector.load %arg3[%swap3A, %swap3A_36] : memref<1000x896xf32, #tpu.memory_space<vmem>>, vector<1000x896xf32>
    tpu.vector_store %arg3[%swap3A, %swap3A_36], %concatenate3A {strides = array<i32>} : memref<1000x896xf32, #tpu.memory_space<vmem>>, vector<1000x896xf32>,
    %swap3A_38 = arith.constant 0 : index
    %swap3A_39 = arith.constant 0 : index
    %swap3A_40 = vector.load %arg4[%swap3A_38, %swap3A_39] : memref<1000x128xf32, #tpu.memory_space<vmem>>, vector<1000x128xf32>
    tpu.vector_store %arg4[%swap3A_38, %swap3A_39], %dot_general3A_35 {strides = array<i32>} : memref<1000x128xf32, #tpu.memory_space<vmem>>, vector<1000x128xf32>,
    return
  }
  func.func @transform_0(%arg0: i32) -> (i32, i32) {
    %c0_i32 = arith.constant 0 : i32
    %c0_i32_0 = arith.constant 0 : i32
    return %arg0, %c0_i32 : i32, i32
  }
  func.func @transform_1(%arg0: i32) -> (i32, i32) {
    %c0_i32 = arith.constant 0 : i32
    %c0_i32_0 = arith.constant 0 : i32
    %c0_i32_1 = arith.constant 0 : i32
    return %c0_i32, %c0_i32_0 : i32, i32
  }
  func.func @transform_2(%arg0: i32) -> (i32, i32) {
    %c0_i32 = arith.constant 0 : i32
    %c0_i32_0 = arith.constant 0 : i32
    return %arg0, %c0_i32 : i32, i32
  }
  func.func @transform_3(%arg0: i32) -> (i32, i32) {
    %c0_i32 = arith.constant 0 : i32
    %c0_i32_0 = arith.constant 0 : i32
    return %arg0, %c0_i32 : i32, i32
  }
}

module attributes {stable_mosaic.version = 14 : i64} {
  func.func @_inv_body(%arg0: memref<2x547x128xf32, #tpu.memory_space<vmem>>, %arg1: memref<547x128xf32, #tpu.memory_space<vmem>>) attributes {dimension_semantics = [], scalar_prefetch = 0 : i64, scratch_operands = 0 : i64, tpu.core_type = #tpu.core_type<tc>} {
    %get3A = arith.constant 0 : index
    %get3A_0 = arith.constant 0 : index
    %get3A_1 = arith.constant 0 : index
    %get3A_2 = vector.load %arg0[%get3A, %get3A_0, %get3A_1] : memref<2x547x128xf32, #tpu.memory_space<vmem>>, vector<1x547x128xf32>
    %get3A_3 = vector.shape_cast %get3A_2 : vector<1x547x128xf32> to vector<547x128xf32>
    %get3A_4 = arith.constant 1 : index
    %get3A_5 = arith.constant 0 : index
    %get3A_6 = arith.constant 0 : index
    %get3A_7 = vector.load %arg0[%get3A_4, %get3A_5, %get3A_6] : memref<2x547x128xf32, #tpu.memory_space<vmem>>, vector<1x547x128xf32>
    %get3A_8 = vector.shape_cast %get3A_7 : vector<1x547x128xf32> to vector<547x128xf32>
    %add3A = arith.addf %get3A_3, %get3A_8 : vector<547x128xf32>
    %iota3A = tpu.iota {dimensions = array<i32: 0>} : vector<547x128xi32>
    %iota3A_9 = tpu.iota {dimensions = array<i32: 1>} : vector<547x128xi32>
    %mul3A = arith.constant 128 : i32
    %mul3A_10 = vector.broadcast %mul3A : i32 to vector<547x128xi32>
    %mul3A_11 = arith.muli %iota3A, %mul3A_10 : vector<547x128xi32>
    %add3A_12 = arith.addi %mul3A_11, %iota3A_9 : vector<547x128xi32>
    %jit3A = arith.constant 7 : i32
    %eq3A = arith.constant 0 : i32
    %eq3A_13 = arith.cmpi eq, %jit3A, %eq3A : i32
    %jit3A_14 = arith.constant 1 : i32
    %select_n3A = arith.select %eq3A_13, %jit3A_14, %jit3A : i32
    %rem3A = vector.broadcast %select_n3A : i32 to vector<547x128xi32>
    %rem3A_15 = arith.remsi %add3A_12, %rem3A : vector<547x128xi32>
    %ne3A = arith.constant 0 : i32
    %ne3A_16 = vector.broadcast %ne3A : i32 to vector<547x128xi32>
    %ne3A_17 = arith.cmpi ne, %rem3A_15, %ne3A_16 : vector<547x128xi32>
    %lt3A = arith.constant 0 : i32
    %lt3A_18 = vector.broadcast %lt3A : i32 to vector<547x128xi32>
    %lt3A_19 = arith.cmpi slt, %rem3A_15, %lt3A_18 : vector<547x128xi32>
    %lt3A_20 = arith.constant 0 : i32
    %lt3A_21 = arith.cmpi slt, %select_n3A, %lt3A_20 : i32
    %ne3A_22 = vector.broadcast %lt3A_21 : i1 to vector<547x128xi1>
    %ne3A_23 = vector.broadcast %ne3A_22 : vector<547x128xi1> to vector<547x128xi1>
    %ne3A_24 = arith.xori %lt3A_19, %ne3A_23 : vector<547x128xi1>
    %and3A = arith.andi %ne3A_24, %ne3A_17 : vector<547x128xi1>
    %add3A_25 = vector.broadcast %select_n3A : i32 to vector<547x128xi32>
    %add3A_26 = arith.addi %rem3A_15, %add3A_25 : vector<547x128xi32>
    %select_n3A_27 = arith.select %and3A, %add3A_26, %rem3A_15 : vector<547x128xi1>, vector<547x128xi32>
    %eq3A_28 = arith.constant 6 : i32
    %eq3A_29 = vector.broadcast %eq3A_28 : i32 to vector<547x128xi32>
    %eq3A_30 = arith.cmpi eq, %select_n3A_27, %eq3A_29 : vector<547x128xi32>
    %max3A = arith.constant 1.000000e+00 : f32
    %max3A_31 = vector.broadcast %max3A : f32 to vector<547x128xf32>
    %max3A_32 = arith.maximumf %add3A, %max3A_31 : vector<547x128xf32>
    %div3A = arith.constant 1.000000e+00 : f32
    %div3A_33 = vector.broadcast %div3A : f32 to vector<547x128xf32>
    %div3A_34 = arith.divf %div3A_33, %max3A_32 : vector<547x128xf32>
    %jit3A_35 = arith.constant 0.000000e+00 : f32
    %broadcast_in_dim3A = vector.broadcast %jit3A_35 : f32 to vector<547x128xf32>
    %select_n3A_36 = arith.select %eq3A_30, %broadcast_in_dim3A, %div3A_34 : vector<547x128xi1>, vector<547x128xf32>
    %swap3A = arith.constant 0 : index
    %swap3A_37 = arith.constant 0 : index
    %swap3A_38 = vector.load %arg1[%swap3A, %swap3A_37] : memref<547x128xf32, #tpu.memory_space<vmem>>, vector<547x128xf32>
    tpu.vector_store %arg1[%swap3A, %swap3A_37], %select_n3A_36 {strides = array<i32>} : memref<547x128xf32, #tpu.memory_space<vmem>>, vector<547x128xf32>,
    return
  }
}

module attributes {stable_mosaic.version = 14 : i64} {
  func.func @_bn_body(%arg0: i32, %arg1: memref<10000x128xf32, #tpu.memory_space<vmem>>, %arg2: memref<2x10000x128xf32, #tpu.memory_space<vmem>>, %arg3: memref<1x128xf32, #tpu.memory_space<vmem>>, %arg4: memref<1x128xf32, #tpu.memory_space<vmem>>, %arg5: memref<10000x128xf32, #tpu.memory_space<vmem>>) attributes {dimension_semantics = [#tpu.dimension_semantics<arbitrary>], iteration_bounds = array<i64: 1>, scalar_prefetch = 0 : i64, scratch_operands = 0 : i64, tpu.core_type = #tpu.core_type<tc>, window_params = [{pipeline_mode = #tpu.pipeline_mode<synchronous>, transform_indices = @transform_0, window_bounds = array<i64: 10000, 128>}, {transform_indices = @transform_1, window_bounds = array<i64: 2, 10000, 128>}, {pipeline_mode = #tpu.pipeline_mode<synchronous>, transform_indices = @transform_2, window_bounds = array<i64: 1, 128>}, {pipeline_mode = #tpu.pipeline_mode<synchronous>, transform_indices = @transform_3, window_bounds = array<i64: 1, 128>}, {pipeline_mode = #tpu.pipeline_mode<synchronous>, transform_indices = @transform_4, window_bounds = array<i64: 10000, 128>}]} {
    %get3A = arith.constant 0 : index
    %get3A_0 = arith.constant 0 : index
    %get3A_1 = vector.load %arg1[%get3A, %get3A_0] : memref<10000x128xf32, #tpu.memory_space<vmem>>, vector<10000x128xf32>
    %get3A_2 = arith.constant 0 : index
    %get3A_3 = arith.constant 0 : index
    %get3A_4 = arith.constant 0 : index
    %get3A_5 = vector.load %arg2[%get3A_2, %get3A_3, %get3A_4] : memref<2x10000x128xf32, #tpu.memory_space<vmem>>, vector<1x10000x128xf32>
    %get3A_6 = vector.shape_cast %get3A_5 : vector<1x10000x128xf32> to vector<10000x128xf32>
    %add3A = arith.addf %get3A_1, %get3A_6 : vector<10000x128xf32>
    %get3A_7 = arith.constant 1 : index
    %get3A_8 = arith.constant 0 : index
    %get3A_9 = arith.constant 0 : index
    %get3A_10 = vector.load %arg2[%get3A_7, %get3A_8, %get3A_9] : memref<2x10000x128xf32, #tpu.memory_space<vmem>>, vector<1x10000x128xf32>
    %get3A_11 = vector.shape_cast %get3A_10 : vector<1x10000x128xf32> to vector<10000x128xf32>
    %add3A_12 = arith.addf %add3A, %get3A_11 : vector<10000x128xf32>
    %reduce_sum3A = arith.constant dense<0.000000e+00> : vector<128xf32>
    %reduce_sum3A_13 = vector.multi_reduction <add>, %add3A_12, %reduce_sum3A [0] : vector<10000x128xf32> to vector<128xf32>
    %broadcast_in_dim3A = vector.shape_cast %reduce_sum3A_13 : vector<128xf32> to vector<1x128xf32>
    %div3A = arith.constant 1.000000e+04 : f32
    %div3A_14 = vector.broadcast %div3A : f32 to vector<1x128xf32>
    %div3A_15 = arith.divf %broadcast_in_dim3A, %div3A_14 : vector<1x128xf32>
    %sub3A = vector.broadcast %div3A_15 : vector<1x128xf32> to vector<10000x128xf32>
    %sub3A_16 = arith.subf %add3A_12, %sub3A : vector<10000x128xf32>
    %mul3A = arith.mulf %sub3A_16, %sub3A_16 : vector<10000x128xf32>
    %reduce_sum3A_17 = arith.constant dense<0.000000e+00> : vector<128xf32>
    %reduce_sum3A_18 = vector.multi_reduction <add>, %mul3A, %reduce_sum3A_17 [0] : vector<10000x128xf32> to vector<128xf32>
    %broadcast_in_dim3A_19 = vector.shape_cast %reduce_sum3A_18 : vector<128xf32> to vector<1x128xf32>
    %div3A_20 = arith.constant 1.000000e+04 : f32
    %div3A_21 = vector.broadcast %div3A_20 : f32 to vector<1x128xf32>
    %div3A_22 = arith.divf %broadcast_in_dim3A_19, %div3A_21 : vector<1x128xf32>
    %add3A_23 = arith.constant 9.99999974E-6 : f32
    %add3A_24 = vector.broadcast %add3A_23 : f32 to vector<1x128xf32>
    %add3A_25 = arith.addf %div3A_22, %add3A_24 : vector<1x128xf32>
    %rsqrt3A = math.rsqrt %add3A_25 : vector<1x128xf32>
    %mul3A_26 = vector.broadcast %rsqrt3A : vector<1x128xf32> to vector<10000x128xf32>
    %mul3A_27 = arith.mulf %sub3A_16, %mul3A_26 : vector<10000x128xf32>
    %get3A_28 = arith.constant 0 : index
    %get3A_29 = arith.constant 0 : index
    %get3A_30 = vector.load %arg3[%get3A_28, %get3A_29] : memref<1x128xf32, #tpu.memory_space<vmem>>, vector<1x128xf32>
    %mul3A_31 = vector.broadcast %get3A_30 : vector<1x128xf32> to vector<10000x128xf32>
    %mul3A_32 = arith.mulf %mul3A_27, %mul3A_31 : vector<10000x128xf32>
    %get3A_33 = arith.constant 0 : index
    %get3A_34 = arith.constant 0 : index
    %get3A_35 = vector.load %arg4[%get3A_33, %get3A_34] : memref<1x128xf32, #tpu.memory_space<vmem>>, vector<1x128xf32>
    %add3A_36 = vector.broadcast %get3A_35 : vector<1x128xf32> to vector<10000x128xf32>
    %add3A_37 = arith.addf %mul3A_32, %add3A_36 : vector<10000x128xf32>
    %swap3A = arith.constant 0 : index
    %swap3A_38 = arith.constant 0 : index
    %swap3A_39 = vector.load %arg5[%swap3A, %swap3A_38] : memref<10000x128xf32, #tpu.memory_space<vmem>>, vector<10000x128xf32>
    tpu.vector_store %arg5[%swap3A, %swap3A_38], %add3A_37 {strides = array<i32>} : memref<10000x128xf32, #tpu.memory_space<vmem>>, vector<10000x128xf32>,
    return
  }
  func.func @transform_0(%arg0: i32) -> (i32, i32) {
    %c0_i32 = arith.constant 0 : i32
    %c0_i32_0 = arith.constant 0 : i32
    %c0_i32_1 = arith.constant 0 : i32
    return %c0_i32, %c0_i32_0 : i32, i32
  }
  func.func @transform_1(%arg0: i32) -> (i32, i32, i32) {
    %c0_i32 = arith.constant 0 : i32
    %c0_i32_0 = arith.constant 0 : i32
    %c0_i32_1 = arith.constant 0 : i32
    %c0_i32_2 = arith.constant 0 : i32
    return %c0_i32, %c0_i32_0, %c0_i32_1 : i32, i32, i32
  }
  func.func @transform_2(%arg0: i32) -> (i32, i32) {
    %c0_i32 = arith.constant 0 : i32
    %c0_i32_0 = arith.constant 0 : i32
    %c0_i32_1 = arith.constant 0 : i32
    return %c0_i32, %c0_i32_0 : i32, i32
  }
  func.func @transform_3(%arg0: i32) -> (i32, i32) {
    %c0_i32 = arith.constant 0 : i32
    %c0_i32_0 = arith.constant 0 : i32
    %c0_i32_1 = arith.constant 0 : i32
    return %c0_i32, %c0_i32_0 : i32, i32
  }
  func.func @transform_4(%arg0: i32) -> (i32, i32) {
    %c0_i32 = arith.constant 0 : i32
    %c0_i32_0 = arith.constant 0 : i32
    %c0_i32_1 = arith.constant 0 : i32
    return %c0_i32, %c0_i32_0 : i32, i32
  }
}

</mosaic_0001>

<sc_bundles>
// kernel: kernel.10.cloned.1.call-start
scs
__scs_entry_jumppad:
0x0: {  	(pc) =	sbr.rel $0x88, $3  }
0x1: {  	(tag) =	ssettag $0x0;
	lr =	simm.s32 $0x1  }
0x2: {  	[smem:$0x3F9B] =	sst lr;
	_ =	strace $0xD0000000  }
0x3: {  	_ = 	snop  }
0x4: {  	_ = 	snop  }
0x5: {  	_ = 	snop  }
0x6: {  	_ = 	snop  }
0x7: {  	_ = 	snop  }
__scs_overlays_trampoline_lowered:
0x8: {  	[smem:$0x3FAA] =	sst s0  }
0x9: {  	[smem:$0x3FAB] =	sst s1  }
0xa: {  	[smem:$0x3FAC] =	sst s2  }
0xb: {  	[smem:$0x3FAD] =	sst s3  }
0xc: {  	[smem:$0x3FAE] =	sst s4  }
0xd: {  	[smem:$0x3FAF] =	sst s5  }
0xe: {  	[smem:$0x3FB0] =	sst s6  }
0xf: {  	[smem:$0x3FB1] =	sst s7  }
0x10: {  	[smem:$0x3FB2] =	sst s8  }
0x11: {  	[smem:$0x3FB3] =	sst s9;
	s0 =	simm.s32 @!p0 $0x0  }
0x12: {  	s1 =	sld [smem:$0x3F99];
	s0 =	simm.s32 @p0 $0x1  }
0x13: {  	[smem:$0x3FB4] =	sst s0;
	s0 =	simm.s32 @!p1 $0x0  }
0x14: {  	s2 =	sld [smem:$0x3F98];
	s0 =	simm.s32 @p1 $0x1  }
0x15: {  	[smem:$0x3FB5] =	sst s0;
	s0 =	simm.s32 @!p2 $0x0  }
0x16: {  	s3 =	sld [smem:$0x3FDB];
	s0 =	simm.s32 @p2 $0x1  }
0x17: {  	s4 =	simm.s32 $0x1BF5;
	[smem:$0x3FB7] =	sst s0  }
0x18: {  	s0 =	sld [smem:$0x3F9A];
	_ =	swait.ge [sflag:s4], $0x0  }
0x19: {  	s7 =	sld [smem:$0x3F9B]  }
0x1a: {  	s8 =	sadd.s32 $0xFFFFE003, lr  }
0x1b: {  	s9 =	sadd.s32 $0xFFFFFEF7, lr;
	s5 =	simm.s32 $0xFFFFFFFF;
	p2 =	slt.u32 s8, $0xFFFFF086  }
0x1c: {  	p1 =	slt.u32 s9, $0xF7A;
	s5 =	simm.s32 @!p2 $0x0  }
0x1d: {  	s5 =	simm.s32 @p1 $0x1;
	p0 =	seq.s32 s7, s2  }
0x1e: {  	s7 =	smul.u32 @!p0 $0xF7A, s2;
	p2 =	seq.s32 @!p0 s5, $0x0  }
0x1f: {  	s9 =	smul.u32 $0xF7A, s1;
	s8 =	simm.s32 @!p0 $0x1BF5;
	p2 =	por !p2, p0  }
0x20: {  	[sflag:s8] =	ssyncset.s32 @!p0 $0xFFFFF086;
	s6 =	sadd.s32 @!p0 s3, s7;
	s7 =	simm.s32 @!p0 $0x108  }
0x21: {  	s3 =	sadd.s32 s3, s9;
	s6 =	sadd.s32 @!p0 $0x88, s6;
	s7 =	simm.s32 @p2 $0x1082  }
0x22: {  	[simem:s7], [sflag:s8] =	dma.local @!p0 [hbm:s6], $0xF7A  }
0x23: {  	s9 =	sor.u32 $0xD0000000, s2;
	s6 =	simm.s32 $0x108;
	_ =	swait.ge @!p0 [sflag:s8], $0x0  }
0x24: {  	s3 =	sadd.s32 $0x88, s3;
	s6 =	simm.s32 @!p1 $0x1082;
	[sflag:s4] =	ssyncset.s32 $0xFFFFF086  }
0x25: {  	[simem:s6], [sflag:s4] =	dma.local [hbm:s3], $0xF7A  }
0x26: {  	[smem:$0x3F9B] =	sst s1;
	(tag) =	ssettag s2;
	_ =	strace s9  }
0x27: {  	s1 =	sld [smem:$0x3FAB]  }
0x28: {  	s2 =	sld [smem:$0x3FAC]  }
0x29: {  	s4 =	sld [smem:$0x3FAE]  }
0x2a: {  	p0 =	seq.s32 s5, $0x0;
	s5 =	sld [smem:$0x3FAF]  }
0x2b: {  	s6 =	sld [smem:$0x3FB0]  }
0x2c: {  	s7 =	sld [smem:$0x3FB1]  }
0x2d: {  	s3 =	simm.s32 $0x108;
	s8 =	sld [smem:$0x3FB2]  }
0x2e: {  	s3 =	simm.s32 @!p0 $0x1082;
	s9 =	sld [smem:$0x3FB3]  }
0x2f: {  	lr =	sadd.s32 s0, s3;
	s0 =	sld [smem:$0x3FAA]  }
0x30: {  	s3 =	sld [smem:$0x3FAD]  }
0x31: {  	[smem:$0x3FB6] =	sst s10  }
0x32: {  	s10 =	sld [smem:$0x3FB4];
	_ =	sdelay $0x3  }
0x33: {  	p0 =	seq.s32 s10, $0x1;
	s10 =	sld [smem:$0x3FB6];
	_ =	sdelay $0x3  }
0x34: {  	[smem:$0x3FB6] =	sst s10  }
0x35: {  	s10 =	sld [smem:$0x3FB5];
	_ =	sdelay $0x3  }
0x36: {  	p1 =	seq.s32 s10, $0x1;
	s10 =	sld [smem:$0x3FB6];
	_ =	sdelay $0x3  }
0x37: {  	[smem:$0x3FB6] =	sst s10  }
0x38: {  	s10 =	sld [smem:$0x3FB7]  }
0x39: {  	_ = 	snop;
	(pc) =	sbr.ind lr, $3  }
0x3a: {  	_ = 	snop  }
0x3b: {  	_ = 	snop  }
0x3c: {  	p2 =	seq.s32 s10, $0x1;
	s10 =	sld [smem:$0x3FB6]  }
0x3d: {  	_ =	shalt  }
0x3e: {  	_ =	shalt  }
0x3f: {  	_ =	shalt  }
0x40: {  	_ =	shalt  }
0x41: {  	_ =	shalt  }
0x42: {  	_ =	shalt  }
0x43: {  	_ =	shalt  }
0x44: {  	_ =	shalt  }
0x45: {  	_ =	shalt  }
0x46: {  	_ =	shalt  }
0x47: {  	_ =	shalt  }
0x48: {  	_ =	shalt  }
0x49: {  	_ =	shalt  }
0x4a: {  	_ =	shalt  }
0x4b: {  	_ =	shalt  }
0x4c: {  	_ =	shalt  }
0x4d: {  	_ =	shalt  }
0x4e: {  	_ =	shalt  }
0x4f: {  	_ =	shalt  }
0x50: {  	_ =	shalt  }
0x51: {  	_ =	shalt  }
0x52: {  	_ =	shalt  }
0x53: {  	_ =	shalt  }
0x54: {  	_ =	shalt  }
0x55: {  	_ =	shalt  }
0x56: {  	_ =	shalt  }
0x57: {  	_ =	shalt  }
0x58: {  	_ =	shalt  }
0x59: {  	_ =	shalt  }
0x5a: {  	_ =	shalt  }
0x5b: {  	_ =	shalt  }
0x5c: {  	_ =	shalt  }
0x5d: {  	_ =	shalt  }
0x5e: {  	_ =	shalt  }
0x5f: {  	_ =	shalt  }
0x60: {  	_ =	shalt  }
0x61: {  	_ =	shalt  }
0x62: {  	_ =	shalt  }
0x63: {  	_ =	shalt  }
0x64: {  	_ =	shalt  }
0x65: {  	_ =	shalt  }
0x66: {  	_ =	shalt  }
0x67: {  	_ =	shalt  }
0x68: {  	_ =	shalt  }
0x69: {  	_ =	shalt  }
0x6a: {  	_ =	shalt  }
0x6b: {  	_ =	shalt  }
0x6c: {  	_ =	shalt  }
0x6d: {  	_ =	shalt  }
0x6e: {  	_ =	shalt  }
0x6f: {  	_ =	shalt  }
0x70: {  	_ =	shalt  }
0x71: {  	_ =	shalt  }
0x72: {  	_ =	shalt  }
0x73: {  	_ =	shalt  }
0x74: {  	_ =	shalt  }
0x75: {  	_ =	shalt  }
0x76: {  	_ =	shalt  }
0x77: {  	_ =	shalt  }
0x78: {  	_ =	shalt  }
0x79: {  	_ =	shalt  }
0x7a: {  	_ =	shalt  }
0x7b: {  	_ =	shalt  }
0x7c: {  	_ =	shalt  }
0x7d: {  	_ =	shalt  }
0x7e: {  	_ =	shalt  }
0x7f: {  	_ =	shalt  }
0x80: {  	_ =	shalt  }
0x81: {  	_ =	shalt  }
0x82: {  	_ =	shalt  }
0x83: {  	_ =	shalt  }
0x84: {  	_ =	shalt  }
0x85: {  	_ =	shalt  }
0x86: {  	_ =	shalt  }
0x87: {  	_ =	shalt  }
.Lfunc_end0:
.L_simem_size_0:
called_computation.1_lowered:
.L_overlay_start_0:
0x88: {  	s2 =	sld [smem:$0x3FD9]  }
0x89: {  	s3 =	sld [smem:$0x3FFE];
	_ =	sdelay $0x1  }
0x8a: {  	s1 =	srdreg.scid  }
0x8b: {  	s0 =	sand.u32 $0x1, s1  }
0x8c: {  	s17 =	sshll.u32 s0, $0xA;
	s2 =	sadd.s32 s3, s2  }
0x8d: {  	s2 =	sadd.s32 s2, s17  }
0x8e: {  	[smem:$0x3FC2] =	sst s2  }
0x8f: {  	_ = 	snop  }
0x90: {  	s2 =	sld [smem:$0x3FC4]  }
0x91: {  	s18 =	sld [smem:$0x3FD0];
	(tm) =	ssettm $0x1  }
0x92: {  	s4 =	sld [smem:$0x3FFB];
	_ =	sdelay $0x3  }
0x93: {  	_ =	strace s4  }
0x94: {  	s4 =	sld [smem:$0x3FFC];
	_ =	sdelay $0x3  }
0x95: {  	_ =	strace s4  }
0x96: {  	s4 =	sld [smem:$0x3FFD];
	_ =	sdelay $0x3  }
0x97: {  	_ =	strace s4  }
0x98: {  	_ =	strace $0x8FFFFFFF  }
0x99: {  	s19 =	sld [smem:$0x3FDB];
	_ =	sdelay $0x1  }
0x9a: {  	s5 =	simm.s32 $_scs_section_size  }
0x9b: {  	s6 =	simm.s32 $_size__tile_overlayer_lowered;
	s7 =	simm.s32 $_tile_overlayer_lowered  }
0x9c: {  	s22 =	simm.s32 $0x1BFF;
	s21 =	sshll.u32 s7, $0x1;
	s4 =	sadd.s32 s5, s19  }
0x9d: {  	s8 =	simm.s32 $0x0;
	s20 =	sshll.u32 s6, $0x1;
	s6 =	sadd.s32 s21, s4  }
0x9e: {  	[timem:s8], [sflag:s22] =	dma.local [hbm:s6], s20  }
0x9f: {  	_ =	swait.ge [sflag:s22], s20  }
0xa0: {  	s5 =	ssub.s32 $0x0, s20;
	[sflag:s22] =	ssyncset.done $0x0  }
0xa1: {  	[sflag:s22] =	ssyncadd.s32 s5;
	_ =	sdelay $0x1  }
0xa2: {  	s23 =	simm.s32 $0x1B8B  }
0xa3: {  	_ =	swait.ge [sflag:s23], $0x1  }
0xa4: {  	[sflag:s23] =	ssyncset.done $0x0  }
0xa5: {  	s25 =	simm.s32 $0x1B8E;
	s24 =	sld [smem:$0x3FFE];
	[sflag:s23] =	ssyncadd.s32 $0xFFFFFFFF  }
0xa6: {  	s26 =	simm.s32 $execute0_lowered;
	[smem:$0x3FD2] =	sst s25  }
0xa7: {  	s6 =	sshll.u32 s26, $0x1;
	_ =	strace $0x80000049;
	[dreg:$0x1] =	wrdreg $0xFFFFFFFF  }
0xa8: {  	s28 =	simm.s32 $_size_execute0_lowered;
	s4 =	sadd.s32 s4, s6;
	[dreg:$0x0] =	wrdreg $0x0  }
0xa9: {  	s6 =	sshll.u32 s28, $0x1;
	[dreg:$0x2] =	wrdreg s4  }
0xaa: {  	[dreg:$0x3] =	wrdreg s6  }
0xab: {  	[dreg:$0x4] =	wrdreg $0xC0  }
0xac: {  	_ =	task [dreg:s8], $0x5FFFF  }
0xad: {  	[dreg:$0x1] =	wrdreg $0xFFFFFFFF  }
0xae: {  	[dreg:$0x0] =	wrdreg $0x60  }
0xaf: {  	[dreg:$0x2] =	wrdreg s24  }
0xb0: {  	[dreg:$0x3] =	wrdreg s18  }
0xb1: {  	[dreg:$0x4] =	wrdreg s2  }
0xb2: {  	[dreg:$0x5] =	wrdreg $0x46800  }
0xb3: {  	[dreg:$0x6] =	wrdreg $0x9  }
0xb4: {  	_ =	task.clear_ibuf [dreg:s8], $0x7FFFF;
	_ =	strace $0x90000049  }
0xb5: {  	s29 =	simm.s32 $0x9;
	_ =	strace $0x8000004B  }
0xb6: {  	_ =	swait.ge [sflag:s29], $0x1  }
0xb7: {  	[sflag:s29] =	ssyncadd.s32 $0xFFFFFFFF  }
0xb8: {  	_ =	strace $0x9000004B  }
0xb9: {  	_ =	sfence  }
0xba: {  	s30 =	sld [smem:$0x0];
	_ =	sdelay $0x2  }
0xbb: {  	s31 =	sshll.u32 s1, $0xD;
	s1 =	sshrl.u32 s1, $0x2  }
0xbc: {  	s3 =	sand.u32 $0x4000, s31;
	s1 =	sadd.s32 s1, s30  }
0xbd: {  	s0 =	sor.u32 s3, s0;
	s1 =	sshll.u32 s1, $0x11  }
0xbe: {  	s0 =	sor.u32 s1, s0  }
0xbf: {  	s0 =	sadd.s32 $0x8F2B, s0  }
0xc0: {  	[sflag:s0] =	ssyncadd.remote.s32 $0x1  }
0xc1: {  	_ =	sfence.sel $0xFFFF  }
0xc2: {  	[dreg:$0x0] =	wrdreg $0xFFFFFFFF;
	(pc) =	sbr.abs _section_cstart, $3  }
0xc3: {  	[dreg:$0x1] =	wrdreg $0xFFFFFFFF  }
0xc4: {  	_ =	task.clear_ibuf [dreg:s8], $0x2FFFF;
	_ =	strace $0x9FFFFFFF  }
0xc5: {  	(tm) =	ssettm $0x7FFFFFFF  }
tec
execute0_lowered:
.L_overlay_start_1:
0x0: {  	(tag) =	ssettag $0x1  }
0x1: {  	s0 =	rddreg [dreg:$0x0]  }
0x2: {  	s1 =	rddreg [dreg:$0x1]  }
0x3: {  	s2 =	rddreg [dreg:$0x2]  }
0x4: {  	s3 =	rddreg [dreg:$0x3];
	s4 =	simm.s32 $0x0;
	s5 =	srdreg.scid  }
0x5: {  	s13 =	stileid.u32;
	s28 =	simm.s32 $0x100;
	s29 =	simm.s32 $0x180  }
0x6: {  	s30 =	simm.s32 $0x200;
	s31 =	simm.s32 $0x280;
	[smem:$0x7FF] =	sst s4  }
0x7: {  	s6 =	sadd.s32 $0x121000, s0;
	s5 =	sand.u32 $0x1, s5;
	s7 =	sadd.s32 $0xB200, s0  }
0x8: {  	s10 =	smul.u32 $0x50000, s13;
	s8 =	sadd.s32 $0x1400, s0;
	s0 =	sadd.s32 $0xD600, s0  }
0x9: {  	s15 =	smul.u32 $0x14000, s13;
	_ =	strace $0x8000004A;
	s9 =	ssub.s32 $0x2, s5  }
0xa: {  	s12 =	sshll.u32 s5, $0x4;
	s5 =	smul.u32 $0x140000, s5;
	s11 =	sshrl.u32 s9, $0x1  }
0xb: {  	s10 =	sshrl.u32 s10, $0x2;
	s25 =	sor.u32 s13, s12;
	s17 =	sadd.s32 $0x4000, s15  }
0xc: {  	s18 =	sadd.s32 $0x8000, s15;
	s19 =	sadd.s32 $0xC000, s15;
	s20 =	sadd.s32 $0x10000, s15  }
0xd: {  	s16 =	ssub.s32 s9, s11;
	s9 =	sadd.s32 s10, s3;
	s10 =	smul.u32 $0x2710, s25  }
0xe: {  	s11 =	sadd.s32 s17, s3;
	s12 =	sadd.s32 s18, s3;
	s13 =	sadd.s32 s19, s3  }
0xf: {  	s14 =	sadd.s32 s20, s3;
	s15 =	sadd.s32 s15, s5;
	s17 =	sadd.s32 s5, s17  }
0x10: {  	s23 =	sadd.s32 s5, s18;
	s15 =	sshrl.u32 s15, $0x3;
	s21 =	sshrl.u32 s10, $0x3  }
0x11: {  	s24 =	sadd.s32 s5, s19;
	s15 =	sadd.s32 s0, s15;
	s21 =	sadd.s32 $0x4E0, s21  }
0x12: {  	s5 =	sadd.s32 s5, s20;
	[dreg:$0x8] =	wrdreg s15;
	s22 =	sadd.s32 s8, s21  }
0x13: {  	s17 =	sshrl.u32 s17, $0x3;
	s26 =	sadd.s32 s1, s21;
	[dreg:$0x5] =	wrdreg s22  }
0x14: {  	s15 =	sshrl.u32 s23, $0x3;
	s21 =	sadd.s32 s2, s21;
	[dreg:$0x6] =	wrdreg s26  }
0x15: {  	s5 =	sshrl.u32 s5, $0x3;
	s15 =	sadd.s32 s0, s15;
	[dreg:$0x7] =	wrdreg s21  }
0x16: {  	s22 =	sadd.s32 s0, s17;
	s17 =	sshrl.u32 s24, $0x3;
	[dreg:$0xa] =	wrdreg s15  }
0x17: {  	s26 =	smax.u32 s16, $0x1;
	s24 =	simm.s32 $0x680;
	s15 =	simm.s32 $0x380  }
0x18: {  	s16 =	simm.s32 $0x10;
	[dreg:$0x9] =	wrdreg s22;
	s25 =	sadd.s32 s0, s17  }
0x19: {  	s0 =	sadd.s32 s0, s5;
	[dreg:$0xd] =	wrdreg s26;
	s26 =	simm.s32 $0x80  }
0x1a: {  	s5 =	simm.s32 $0x2;
	s17 =	simm.s32 $0x0;
	[dreg:$0xb] =	wrdreg s25  }
0x1b: {  	v0 =	vimm.f32 $0.0e+00;
	[dreg:$0xc] =	wrdreg s0;
	s25 =	simm.s32 $0x3;
	s0 =	simm.s32 $0x1  }
.LBB2_1:
0x1c: {  	s18 =	simm.s32 $0x0;
	s19 =	simm.s32 $0x200  }
.LBB2_2:
0x1d: {  	p0 =	sne.s32 s19, $0xFE00;
	[tilespmem:s18+$0x6F0] =	vst v0  }
0x1e: {  	[tilespmem:s18+$0x680] =	vst v0  }
0x1f: {  	[tilespmem:s18+$0x690] =	vst v0  }
.Ltmp0:
0x20: {  	[tilespmem:s18+$0x6A0] =	vst v0;
	(pc) =	sbr.rel @p0 .LBB2_2-.Ltmp0, $4  }
0x21: {  	[tilespmem:s18+$0x6B0] =	vst v0  }
0x22: {  	[tilespmem:s18+$0x6C0] =	vst v0  }
0x23: {  	[tilespmem:s18+$0x6D0] =	vst v0  }
0x24: {  	[tilespmem:s18+$0x6E0] =	vst v0;
	s18 =	sshra.s32 s19, $0x2;
	s19 =	sadd.s32 $0x200, s19  }
0x25: {  	[tilespmem:s18+$0x6F0] =	vst v0  }
0x26: {  	[tilespmem:s18+$0x680] =	vst v0  }
0x27: {  	[tilespmem:s18+$0x690] =	vst v0  }
0x28: {  	[tilespmem:s18+$0x6A0] =	vst v0  }
0x29: {  	[tilespmem:s18+$0x6B0] =	vst v0  }
0x2a: {  	[tilespmem:s18+$0x6C0] =	vst v0  }
0x2b: {  	[tilespmem:s18+$0x6D0] =	vst v0  }
0x2c: {  	[tilespmem:s18+$0x6E0] =	vst v0  }
0x2d: {  	[spmem:s9] =	stream.linear.scatter [tilespmem:s24], [sflag:$0x3], $0x4000, $0x38;
	[tilespmem:$0x18680] =	vst v63  }
0x2e: {  	_ =	swait.ge [sflag:s25], $0x4000  }
0x2f: {  	[sflag:s25] =	ssyncset.done $0x0  }
0x30: {  	[sflag:s25] =	ssyncadd.s32 $0xFFFFC000  }
0x31: {  	[spmem:s11] =	stream.linear.scatter [tilespmem:s24], [sflag:$0x3], $0x4000, $0x38;
	[tilespmem:$0x18680] =	vst v63  }
0x32: {  	_ =	swait.ge [sflag:s25], $0x4000  }
0x33: {  	[sflag:s25] =	ssyncset.done $0x0  }
0x34: {  	[sflag:s25] =	ssyncadd.s32 $0xFFFFC000  }
0x35: {  	[spmem:s12] =	stream.linear.scatter [tilespmem:s24], [sflag:$0x3], $0x4000, $0x38;
	[tilespmem:$0x18680] =	vst v63  }
0x36: {  	_ =	swait.ge [sflag:s25], $0x4000  }
0x37: {  	[sflag:s25] =	ssyncset.done $0x0  }
0x38: {  	[sflag:s25] =	ssyncadd.s32 $0xFFFFC000  }
0x39: {  	[spmem:s13] =	stream.linear.scatter [tilespmem:s24], [sflag:$0x3], $0x4000, $0x38;
	[tilespmem:$0x18680] =	vst v63  }
0x3a: {  	_ =	swait.ge [sflag:s25], $0x4000  }
0x3b: {  	[sflag:s25] =	ssyncset.done $0x0  }
0x3c: {  	[sflag:s25] =	ssyncadd.s32 $0xFFFFC000  }
0x3d: {  	[spmem:s14] =	stream.linear.scatter [tilespmem:s24], [sflag:$0x3], $0x4000, $0x38;
	[tilespmem:$0x18680] =	vst v63  }
0x3e: {  	_ =	swait.ge [sflag:s25], $0x4000  }
0x3f: {  	[sflag:s25] =	ssyncset.done $0x0  }
0x40: {  	[sflag:s25] =	ssyncadd.s32 $0xFFFFC000  }
0x41: {  	s18 =	simm.s32 $0x0;
	s19 =	simm.s32 $0x0;
	[bflag:$0x0] =	sbarrier.arrive $0xFFFF  }
.LBB2_4:
0x42: {  	s20 =	sshll.u32 s19, $0x7  }
0x43: {  	s20 =	sadd.s32 s10, s20  }
0x44: {  	s20 =	sshrl.u32 s20, $0x3  }
0x45: {  	s21 =	sadd.s32 s8, s20  }
0x46: {  	[tilespmem:s18], [sflag:$0x3] =	stream.linear.gather [hbm4b:s21+s18], $0x80, $0x38;
	[tilespmem:$0x18680] =	vst v63  }
0x47: {  	_ =	swait.ge [sflag:s25], $0x80  }
0x48: {  	[sflag:s25] =	ssyncset.done $0x0  }
0x49: {  	s22 =	sadd.s32 s1, s20;
	[sflag:s25] =	ssyncadd.s32 $0xFFFFFF80  }
0x4a: {  	[tilespmem:s26], [sflag:$0x3] =	stream.linear.gather [hbm4b:s22+s18], $0x80, $0x38;
	[tilespmem:$0x18680] =	vst v63  }
0x4b: {  	_ =	swait.ge [sflag:s25], $0x80  }
0x4c: {  	[sflag:s25] =	ssyncset.done $0x0  }
0x4d: {  	s20 =	sadd.s32 s2, s20;
	[sflag:s25] =	ssyncadd.s32 $0xFFFFFF80  }
0x4e: {  	[tilespmem:s28], [sflag:$0x3] =	stream.linear.gather [hbm4b:s20+s18], $0x80, $0x38;
	[tilespmem:$0x18680] =	vst v63  }
0x4f: {  	_ =	swait.ge [sflag:s25], $0x80  }
0x50: {  	[sflag:s25] =	ssyncset.done $0x0  }
0x51: {  	[sflag:s25] =	ssyncadd.s32 $0xFFFFFF80  }
0x52: {  	v1 =	vld [tilespmem:$0x100]  }
0x53: {  	v2 =	vld [tilespmem:$0x80]  }
0x54: {  	v3 =	vld [tilespmem:$0x0]  }
0x55: {  	v4 =	vld [tilespmem:$0x110]  }
0x56: {  	v5 =	vld [tilespmem:$0x90]  }
0x57: {  	v6 =	vld [tilespmem:$0x10]  }
0x58: {  	v7 =	vld [tilespmem:$0x120]  }
0x59: {  	v8 =	vld [tilespmem:$0xA0]  }
0x5a: {  	v9 =	vld [tilespmem:$0x20]  }
0x5b: {  	v10 =	vld [tilespmem:$0x130]  }
0x5c: {  	v11 =	vld [tilespmem:$0xB0]  }
0x5d: {  	v12 =	vld [tilespmem:$0x30]  }
0x5e: {  	v13 =	vld [tilespmem:$0x140];
	v2 =	vmul.u32 $0x7, v2  }
0x5f: {  	v14 =	vld [tilespmem:$0xC0];
	v3 =	vmul.u32 $0x7, v3  }
0x60: {  	v15 =	vld [tilespmem:$0x40];
	v5 =	vmul.u32 $0x7, v5;
	v2 =	vadd.s32 v1, v2  }
0x61: {  	v1 =	vadd.s32 v1, v3;
	v3 =	vld [tilespmem:$0x150];
	[tilespmem:$0x180] =	vst v2;
	v2 =	vmul.u32 $0x7, v6  }
0x62: {  	[tilespmem:$0x200] =	vst v1;
	v1 =	vadd.s32 v4, v5;
	v5 =	vmul.u32 $0x7, v8;
	v6 =	vld [tilespmem:$0xD0]  }
0x63: {  	v8 =	vld [tilespmem:$0x160];
	[tilespmem:$0x190] =	vst v1;
	v1 =	vadd.s32 v4, v2;
	v2 =	vmul.u32 $0x7, v9  }
0x64: {  	v4 =	vld [tilespmem:$0x50];
	[tilespmem:$0x210] =	vst v1;
	v1 =	vadd.s32 v7, v5;
	v5 =	vmul.u32 $0x7, v11  }
0x65: {  	[tilespmem:$0x1A0] =	vst v1;
	v1 =	vadd.s32 v7, v2;
	v2 =	vmul.u32 $0x7, v12;
	v7 =	vld [tilespmem:$0xE0]  }
0x66: {  	v9 =	vld [tilespmem:$0x60];
	[tilespmem:$0x220] =	vst v1;
	v1 =	vadd.s32 v10, v5;
	v5 =	vmul.u32 $0x7, v14  }
0x67: {  	[tilespmem:$0x1B0] =	vst v1;
	v1 =	vadd.s32 v10, v2;
	v2 =	vmul.u32 $0x7, v15;
	v10 =	vld [tilespmem:$0xF0]  }
0x68: {  	[tilespmem:$0x230] =	vst v1;
	v1 =	vadd.s32 v13, v5;
	v5 =	vmul.u32 $0x7, v6;
	v6 =	vld [tilespmem:$0x70]  }
0x69: {  	[tilespmem:$0x1C0] =	vst v1;
	v1 =	vadd.s32 v13, v2;
	v2 =	vmul.u32 $0x7, v4;
	v4 =	vld [tilespmem:$0x170]  }
0x6a: {  	[tilespmem:$0x240] =	vst v1;
	v1 =	vadd.s32 v3, v5;
	v5 =	vmul.u32 $0x7, v7  }
0x6b: {  	[tilespmem:$0x1D0] =	vst v1;
	v1 =	vadd.s32 v3, v2;
	v2 =	vmul.u32 $0x7, v9  }
0x6c: {  	[tilespmem:$0x250] =	vst v1;
	v1 =	vadd.s32 v8, v5;
	v3 =	vmul.u32 $0x7, v10  }
0x6d: {  	[tilespmem:$0x1E0] =	vst v1;
	v1 =	vadd.s32 v8, v2;
	v2 =	vmul.u32 $0x7, v6  }
0x6e: {  	[tilespmem:$0x260] =	vst v1;
	v1 =	vadd.s32 v4, v3  }
0x6f: {  	[tilespmem:$0x1F0] =	vst v1;
	v1 =	vadd.s32 v4, v2  }
0x70: {  	[tilespmem:$0x270] =	vst v1  }
0x71: {  	[tilespmem:s24], [sflag:$0x1] =	stream.indirect.gather [hbm4b:s6+s26], $0x80, s29, s26, $0xb8;
	[tilespmem:$0x18680] =	vst v63  }
0x72: {  	_ = 	snop  }
0x73: {  	[tilespmem:s31], [sflag:$0x2] =	stream.indirect.gather [hbm4b:s7+s26], $0x1, s30, s26, $0xb8;
	[tilespmem:$0x18680] =	vst v63  }
0x74: {  	_ =	swait.ge [sflag:s0], $0x4000  }
0x75: {  	[sflag:s0] =	ssyncset.done $0x0  }
0x76: {  	[sflag:s0] =	ssyncadd.s32 $0xFFFFC000  }
0x77: {  	_ =	swait.ge [sflag:s5], $0x80  }
0x78: {  	[sflag:s5] =	ssyncset.done $0x0  }
0x79: {  	s20 =	simm.s32 $0x6C0;
	[sflag:s5] =	ssyncadd.s32 $0xFFFFFF80  }
0x7a: {  	v5 =	vld [tilespmem:s20+$0x30]  }
0x7b: {  	v8 =	vld [tilespmem:s20+$0x10]  }
0x7c: {  	s23 =	simm.s32 $0x0;
	v6 =	vld [tilespmem:s20+$0xFFFFFFC0]  }
0x7d: {  	v2 =	vld.msk [tilespmem:s23+$0x280 ss:$0x0], $0xffff  }
0x7e: {  	v10 =	vld [tilespmem:s20+$0xFFFFFFE0]  }
0x7f: {  	v1 =	vld [tilespmem:s20+$0xFFFFFFF0]  }
0x80: {  	v3 =	vld [tilespmem:s20+$0x20]  }
0x81: {  	v4 =	vld [tilespmem:s20+$0xFFFFFFD0]  }
0x82: {  	v9 =	vmul.f32 v5, v2;
	v5 =	vld [tilespmem:s20+$0x0]  }
0x83: {  	v7 =	vmul.f32 v2, v6  }
0x84: {  	s21 =	simm.s32 $0x4;
	s22 =	simm.s32 $0x6C0;
	v6 =	vmul.f32 v10, v2;
	v8 =	vmul.f32 v8, v2  }
.LBB2_5:
0x85: {  	p0 =	sne.s32 s21, $0x1FC  }
0x86: {  	v4 =	vmul.f32 v4, v2;
	v3 =	vmul.f32 v3, v2;
	[tilespmem:s20+$0x30] =	vst v9;
	s22 =	sadd.s32 $0x80, s22;
	s23 =	smov.u32 s21;
	s21 =	sadd.s32 $0x4, s21  }
0x87: {  	[tilespmem:s20+$0xFFFFFFC0] =	vst v7;
	v7 =	vmul.f32 v1, v2;
	v2 =	vmul.f32 v5, v2  }
0x88: {  	[tilespmem:s20+$0x10] =	vst v8  }
0x89: {  	[tilespmem:s20+$0xFFFFFFE0] =	vst v6  }
0x8a: {  	v1 =	vld [tilespmem:s22+$0xFFFFFFF0];
	[tilespmem:s20+$0xFFFFFFF0] =	vst v7  }
0x8b: {  	v6 =	vld [tilespmem:s22+$0x30];
	[tilespmem:s20+$0x0] =	vst v2  }
0x8c: {  	v8 =	vld [tilespmem:s22+$0x10];
	[tilespmem:s20+$0x20] =	vst v3  }
0x8d: {  	s23 =	sshra.s32 s23, $0x2;
	v7 =	vld [tilespmem:s22+$0xFFFFFFC0];
	[tilespmem:s20+$0xFFFFFFD0] =	vst v4;
	s20 =	smov.u32 s22  }
0x8e: {  	v2 =	vld.msk [tilespmem:s23+$0x280 ss:$0x0], $0xffff  }
0x8f: {  	v10 =	vld [tilespmem:s22+$0xFFFFFFE0]  }
0x90: {  	v3 =	vld [tilespmem:s22+$0x20]  }
.Ltmp1:
0x91: {  	v4 =	vld [tilespmem:s22+$0xFFFFFFD0];
	(pc) =	sbr.rel @p0 .LBB2_5-.Ltmp1, $3  }
0x92: {  	v5 =	vld [tilespmem:s22+$0x0];
	_ =	sdelay $0x1  }
0x93: {  	v7 =	vmul.f32 v2, v7;
	v9 =	vmul.f32 v6, v2  }
0x94: {  	v8 =	vmul.f32 v8, v2;
	v6 =	vmul.f32 v10, v2  }
0x95: {  	[tilespmem:s20+$0x30] =	vst v9  }
0x96: {  	[tilespmem:s20+$0xFFFFFFC0] =	vst v7  }
0x97: {  	v1 =	vmul.f32 v1, v2;
	[tilespmem:s20+$0x10] =	vst v8  }
0x98: {  	v3 =	vmul.f32 v3, v2;
	[tilespmem:s20+$0xFFFFFFE0] =	vst v6  }
0x99: {  	v5 =	vmul.f32 v5, v2;
	[tilespmem:s20+$0xFFFFFFF0] =	vst v1  }
0x9a: {  	s19 =	sadd.s32 $0x1, s19;
	v1 =	vmul.f32 v4, v2;
	[tilespmem:s20+$0x20] =	vst v3  }
0x9b: {  	p0 =	sne.s32 s19, $0x4E;
	[tilespmem:s20+$0x0] =	vst v5  }
.Ltmp2:
0x9c: {  	[tilespmem:s20+$0xFFFFFFD0] =	vst v1;
	(pc) =	sbr.rel @p0 .LBB2_4-.Ltmp2, $4  }
0x9d: {  	[spmem:s3] =	stream.indirect.scatter.add.f32 [tilespmem:s24], [sflag:$0x3], $0x80, s4, s26, $0xb8;
	[tilespmem:$0x18680] =	vst v63  }
0x9e: {  	_ =	swait.ge [sflag:s25], $0x4000  }
0x9f: {  	[sflag:s25] =	ssyncset.done $0x0  }
0xa0: {  	[sflag:s25] =	ssyncadd.s32 $0xFFFFC000  }
0xa1: {  	s18 =	simm.s32 $0x0;
	s19 =	rddreg [dreg:$0x5]  }
0xa2: {  	[tilespmem:s15], [sflag:$0x3] =	stream.linear.gather [hbm4b:s19+s18], $0x10, $0x38;
	[tilespmem:$0x18680] =	vst v63  }
0xa3: {  	_ =	swait.ge [sflag:s25], $0x10  }
0xa4: {  	[sflag:s25] =	ssyncset.done $0x0  }
0xa5: {  	s20 =	simm.s32 $0x400;
	s21 =	rddreg [dreg:$0x6];
	[sflag:s25] =	ssyncadd.s32 $0xFFFFFFF0  }
0xa6: {  	[tilespmem:s20], [sflag:$0x3] =	stream.linear.gather [hbm4b:s21+s18], $0x10, $0x38;
	[tilespmem:$0x18680] =	vst v63  }
0xa7: {  	_ =	swait.ge [sflag:s25], $0x10  }
0xa8: {  	[sflag:s25] =	ssyncset.done $0x0  }
0xa9: {  	s23 =	simm.s32 $0x480;
	s22 =	rddreg [dreg:$0x7];
	[sflag:s25] =	ssyncadd.s32 $0xFFFFFFF0  }
0xaa: {  	[tilespmem:s23], [sflag:$0x3] =	stream.linear.gather [hbm4b:s22+s18], $0x10, $0x38;
	[tilespmem:$0x18680] =	vst v63  }
0xab: {  	_ =	swait.ge [sflag:s25], $0x10  }
0xac: {  	[sflag:s25] =	ssyncset.done $0x0  }
0xad: {  	[sflag:s25] =	ssyncadd.s32 $0xFFFFFFF0  }
0xae: {  	v1 =	vld [tilespmem:$0x400]  }
0xaf: {  	v2 =	vld [tilespmem:$0x380]  }
0xb0: {  	v3 =	vld [tilespmem:$0x480];
	_ =	sdelay $0x2  }
0xb1: {  	v1 =	vmul.u32 $0x7, v1  }
0xb2: {  	v2 =	vmul.u32 $0x7, v2  }
0xb3: {  	v1 =	vadd.s32 v3, v1  }
0xb4: {  	[tilespmem:$0x500] =	vst v1;
	v1 =	vadd.s32 v3, v2  }
0xb5: {  	s20 =	simm.s32 $0x500;
	[tilespmem:$0x580] =	vst v1  }
0xb6: {  	[tilespmem:s24], [sflag:$0x1] =	stream.indirect.gather [hbm4b:s6+s16], $0x80, s20, s16, $0xb8;
	[tilespmem:$0x18680] =	vst v63  }
0xb7: {  	s21 =	simm.s32 $0x580;
	s22 =	simm.s32 $0x600  }
0xb8: {  	[tilespmem:s22], [sflag:$0x2] =	stream.indirect.gather [hbm4b:s7+s16], $0x1, s21, s16, $0xb8;
	[tilespmem:$0x18680] =	vst v63  }
0xb9: {  	_ =	swait.ge [sflag:s0], $0x800  }
0xba: {  	[sflag:s0] =	ssyncset.done $0x0  }
0xbb: {  	[sflag:s0] =	ssyncadd.s32 $0xFFFFF800  }
0xbc: {  	_ =	swait.ge [sflag:s5], $0x10  }
0xbd: {  	[sflag:s5] =	ssyncset.done $0x0  }
0xbe: {  	s18 =	simm.s32 $0x6C0;
	[sflag:s5] =	ssyncadd.s32 $0xFFFFFFF0  }
0xbf: {  	v5 =	vld [tilespmem:s18+$0x30]  }
0xc0: {  	v8 =	vld [tilespmem:s18+$0x10]  }
0xc1: {  	s23 =	simm.s32 $0x0;
	v6 =	vld [tilespmem:s18+$0xFFFFFFC0]  }
0xc2: {  	v2 =	vld.msk [tilespmem:s23+$0x600 ss:$0x0], $0xffff  }
0xc3: {  	v10 =	vld [tilespmem:s18+$0xFFFFFFE0]  }
0xc4: {  	v1 =	vld [tilespmem:s18+$0xFFFFFFF0]  }
0xc5: {  	v3 =	vld [tilespmem:s18+$0x20]  }
0xc6: {  	v4 =	vld [tilespmem:s18+$0xFFFFFFD0]  }
0xc7: {  	v9 =	vmul.f32 v5, v2;
	v5 =	vld [tilespmem:s18+$0x0]  }
0xc8: {  	v7 =	vmul.f32 v2, v6  }
0xc9: {  	s19 =	simm.s32 $0x4;
	s20 =	simm.s32 $0x6C0;
	v6 =	vmul.f32 v10, v2;
	v8 =	vmul.f32 v8, v2  }
.LBB2_8:
0xca: {  	p0 =	sne.s32 s19, $0x3C  }
0xcb: {  	v4 =	vmul.f32 v4, v2;
	v3 =	vmul.f32 v3, v2;
	[tilespmem:s18+$0x30] =	vst v9;
	s20 =	sadd.s32 $0x80, s20;
	s21 =	smov.u32 s19;
	s19 =	sadd.s32 $0x4, s19  }
0xcc: {  	[tilespmem:s18+$0xFFFFFFC0] =	vst v7;
	v7 =	vmul.f32 v1, v2;
	v2 =	vmul.f32 v5, v2  }
0xcd: {  	[tilespmem:s18+$0x10] =	vst v8  }
0xce: {  	[tilespmem:s18+$0xFFFFFFE0] =	vst v6  }
0xcf: {  	v1 =	vld [tilespmem:s20+$0xFFFFFFF0];
	[tilespmem:s18+$0xFFFFFFF0] =	vst v7  }
0xd0: {  	v6 =	vld [tilespmem:s20+$0x30];
	[tilespmem:s18+$0x0] =	vst v2  }
0xd1: {  	v8 =	vld [tilespmem:s20+$0x10];
	[tilespmem:s18+$0x20] =	vst v3  }
0xd2: {  	s21 =	sshra.s32 s21, $0x2;
	v7 =	vld [tilespmem:s20+$0xFFFFFFC0];
	[tilespmem:s18+$0xFFFFFFD0] =	vst v4;
	s18 =	smov.u32 s20  }
0xd3: {  	v2 =	vld.msk [tilespmem:s21+$0x600 ss:$0x0], $0xffff  }
0xd4: {  	v10 =	vld [tilespmem:s20+$0xFFFFFFE0]  }
0xd5: {  	v3 =	vld [tilespmem:s20+$0x20]  }
.Ltmp3:
0xd6: {  	v4 =	vld [tilespmem:s20+$0xFFFFFFD0];
	(pc) =	sbr.rel @p0 .LBB2_8-.Ltmp3, $3  }
0xd7: {  	v5 =	vld [tilespmem:s20+$0x0];
	_ =	sdelay $0x1  }
0xd8: {  	v7 =	vmul.f32 v2, v7;
	v9 =	vmul.f32 v6, v2  }
0xd9: {  	v8 =	vmul.f32 v8, v2;
	v6 =	vmul.f32 v10, v2  }
0xda: {  	[tilespmem:s18+$0x30] =	vst v9  }
0xdb: {  	[tilespmem:s18+$0xFFFFFFC0] =	vst v7  }
0xdc: {  	v1 =	vmul.f32 v1, v2;
	[tilespmem:s18+$0x10] =	vst v8  }
0xdd: {  	v3 =	vmul.f32 v3, v2;
	[tilespmem:s18+$0xFFFFFFE0] =	vst v6  }
0xde: {  	v5 =	vmul.f32 v5, v2;
	[tilespmem:s18+$0xFFFFFFF0] =	vst v1  }
0xdf: {  	v1 =	vmul.f32 v4, v2;
	[tilespmem:s18+$0x20] =	vst v3  }
0xe0: {  	[tilespmem:s18+$0x0] =	vst v5  }
0xe1: {  	[tilespmem:s18+$0xFFFFFFD0] =	vst v1  }
0xe2: {  	[spmem:s3] =	stream.indirect.scatter.add.f32 [tilespmem:s24], [sflag:$0x3], $0x80, s15, s16, $0xb8;
	[tilespmem:$0x18680] =	vst v63  }
0xe3: {  	_ =	swait.ge [sflag:s25], $0x800  }
0xe4: {  	[sflag:s25] =	ssyncset.done $0x0  }
0xe5: {  	[sflag:s25] =	ssyncadd.s32 $0xFFFFF800  }
0xe6: {  	[bflag:$0x0] =	sbarrier.arrive $0xFFFF  }
0xe7: {  	[tilespmem:s24], [sflag:$0x3] =	stream.linear.gather [spmem:s9], $0x4000, $0x38;
	[tilespmem:$0x18680] =	vst v63  }
0xe8: {  	_ =	swait.ge [sflag:s25], $0x4000  }
0xe9: {  	[sflag:s25] =	ssyncset.done $0x0  }
0xea: {  	s23 =	rddreg [dreg:$0x8];
	[sflag:s25] =	ssyncadd.s32 $0xFFFFC000  }
0xeb: {  	[hbm4b:s23+s4] =	stream.linear.scatter [tilespmem:s24], [sflag:$0x3], $0x4000, $0x38;
	[tilespmem:$0x18680] =	vst v63  }
0xec: {  	_ =	swait.ge [sflag:s25], $0x4000  }
0xed: {  	[sflag:s25] =	ssyncset.done $0x0  }
0xee: {  	[sflag:s25] =	ssyncadd.s32 $0xFFFFC000  }
0xef: {  	[tilespmem:s24], [sflag:$0x3] =	stream.linear.gather [spmem:s11], $0x4000, $0x38;
	[tilespmem:$0x18680] =	vst v63  }
0xf0: {  	_ =	swait.ge [sflag:s25], $0x4000  }
0xf1: {  	[sflag:s25] =	ssyncset.done $0x0  }
0xf2: {  	s19 =	rddreg [dreg:$0x9];
	[sflag:s25] =	ssyncadd.s32 $0xFFFFC000  }
0xf3: {  	[hbm4b:s19+s4] =	stream.linear.scatter [tilespmem:s24], [sflag:$0x3], $0x4000, $0x38;
	[tilespmem:$0x18680] =	vst v63  }
0xf4: {  	_ =	swait.ge [sflag:s25], $0x4000  }
0xf5: {  	[sflag:s25] =	ssyncset.done $0x0  }
0xf6: {  	[sflag:s25] =	ssyncadd.s32 $0xFFFFC000  }
0xf7: {  	[tilespmem:s24], [sflag:$0x3] =	stream.linear.gather [spmem:s12], $0x4000, $0x38;
	[tilespmem:$0x18680] =	vst v63  }
0xf8: {  	_ =	swait.ge [sflag:s25], $0x4000  }
0xf9: {  	[sflag:s25] =	ssyncset.done $0x0  }
0xfa: {  	s20 =	rddreg [dreg:$0xa];
	[sflag:s25] =	ssyncadd.s32 $0xFFFFC000  }
0xfb: {  	[hbm4b:s20+s4] =	stream.linear.scatter [tilespmem:s24], [sflag:$0x3], $0x4000, $0x38;
	[tilespmem:$0x18680] =	vst v63  }
0xfc: {  	_ =	swait.ge [sflag:s25], $0x4000  }
0xfd: {  	[sflag:s25] =	ssyncset.done $0x0  }
0xfe: {  	[sflag:s25] =	ssyncadd.s32 $0xFFFFC000  }
0xff: {  	[tilespmem:s24], [sflag:$0x3] =	stream.linear.gather [spmem:s13], $0x4000, $0x38;
	[tilespmem:$0x18680] =	vst v63  }
0x100: {  	_ =	swait.ge [sflag:s25], $0x4000  }
0x101: {  	[sflag:s25] =	ssyncset.done $0x0  }
0x102: {  	s21 =	rddreg [dreg:$0xb];
	[sflag:s25] =	ssyncadd.s32 $0xFFFFC000  }
0x103: {  	[hbm4b:s21+s4] =	stream.linear.scatter [tilespmem:s24], [sflag:$0x3], $0x4000, $0x38;
	[tilespmem:$0x18680] =	vst v63  }
0x104: {  	_ =	swait.ge [sflag:s25], $0x4000  }
0x105: {  	[sflag:s25] =	ssyncset.done $0x0  }
0x106: {  	[sflag:s25] =	ssyncadd.s32 $0xFFFFC000  }
0x107: {  	[tilespmem:s24], [sflag:$0x3] =	stream.linear.gather [spmem:s14], $0x4000, $0x38;
	[tilespmem:$0x18680] =	vst v63  }
0x108: {  	_ =	swait.ge [sflag:s25], $0x4000  }
0x109: {  	[sflag:s25] =	ssyncset.done $0x0  }
0x10a: {  	s22 =	rddreg [dreg:$0xc];
	[sflag:s25] =	ssyncadd.s32 $0xFFFFC000  }
0x10b: {  	[hbm4b:s22+s4] =	stream.linear.scatter [tilespmem:s24], [sflag:$0x3], $0x4000, $0x38;
	[tilespmem:$0x18680] =	vst v63  }
0x10c: {  	_ =	swait.ge [sflag:s25], $0x4000  }
0x10d: {  	s17 =	sadd.s32 $0x1, s17;
	s23 =	rddreg [dreg:$0xd]  }
0x10e: {  	p0 =	sne.s32 s17, s23  }
.Ltmp4:
0x10f: {  	_ = 	snop;
	(pc) =	sbr.rel @p0 .LBB2_1-.Ltmp4, $3  }
0x110: {  	_ =	sdelay $0x1  }
0x111: {  	[sflag:s25] =	ssyncset.done $0x0  }
0x112: {  	[sflag:s25] =	ssyncadd.s32 $0xFFFFC000  }
0x113: {  	_ =	sfence.sel $0x180000  }
0x114: {  	[bflag:$0x0] =	sbarrier.arrive $0xFFFF  }
0x115: {  	_ =	strace $0x9000004A  }
0x116: {  	s0 =	stileid.u32;
	[bflag:$0x2] =	sbarrier.arrive $0xFFFF  }
0x117: {  	p0 =	sne.s32 s0, $0x0;
	s0 =	rddreg [dreg:$0x4]  }
0x118: {  	s0 =	sadd.s32 @!p0 $0x100000, s0  }
0x119: {  	[sflag:s0] =	ssyncadd.tile.s32 @!p0 $0x1;
	_ =	shalt  }
.Lfunc_end2:
_tile_overlayer_lowered:
.L_overlay_start_2:
0x11a: {  	(tag) =	ssettag $0x2  }
0x11b: {  	s0 =	rddreg [dreg:$0x0];
	s2 =	stileid.u32  }
0x11c: {  	s1 =	rddreg [dreg:$0x1];
	p0 =	sne.s32 s2, $0x0  }
0x11d: {  	s3 =	rddreg [dreg:$0x2];
	[bflag:$0x3] =	sbarrier.arrive $0xFFFF;
	s2 =	simm.s32 @!p0 $0x1C03  }
0x11e: {  	[timem:s3], [sflag:s2] =	dma.local @!p0 [hbm:s0], s1  }
0x11f: {  	s0 =	simm.s32 @!p0 $0x3  }
0x120: {  	_ =	swait.ge @!p0 [sflag:s0], s1  }
0x121: {  	s1 =	ssub.s32 @!p0 $0x0, s1;
	[sflag:s0] =	ssyncset.done @!p0 $0x0  }
0x122: {  	[sflag:s0] =	ssyncadd.s32 @!p0 s1  }
0x123: {  	[bflag:$0x3] =	sbarrier.arrive $0xFFFF  }
0x124: {  	_ =	shalt  }

// kernel: kernel.7.cloned.1.call-start
scs
__scs_entry_jumppad:
0x0: {  	(pc) =	sbr.rel $0x88, $3  }
0x1: {  	(tag) =	ssettag $0x0;
	lr =	simm.s32 $0x1  }
0x2: {  	[smem:$0x3F9B] =	sst lr;
	_ =	strace $0xD0000000  }
0x3: {  	_ = 	snop  }
0x4: {  	_ = 	snop  }
0x5: {  	_ = 	snop  }
0x6: {  	_ = 	snop  }
0x7: {  	_ = 	snop  }
__scs_overlays_trampoline_lowered:
0x8: {  	[smem:$0x3FAA] =	sst s0  }
0x9: {  	[smem:$0x3FAB] =	sst s1  }
0xa: {  	[smem:$0x3FAC] =	sst s2  }
0xb: {  	[smem:$0x3FAD] =	sst s3  }
0xc: {  	[smem:$0x3FAE] =	sst s4  }
0xd: {  	[smem:$0x3FAF] =	sst s5  }
0xe: {  	[smem:$0x3FB0] =	sst s6  }
0xf: {  	[smem:$0x3FB1] =	sst s7  }
0x10: {  	[smem:$0x3FB2] =	sst s8  }
0x11: {  	[smem:$0x3FB3] =	sst s9;
	s0 =	simm.s32 @!p0 $0x0  }
0x12: {  	s1 =	sld [smem:$0x3F99];
	s0 =	simm.s32 @p0 $0x1  }
0x13: {  	[smem:$0x3FB4] =	sst s0;
	s0 =	simm.s32 @!p1 $0x0  }
0x14: {  	s2 =	sld [smem:$0x3F98];
	s0 =	simm.s32 @p1 $0x1  }
0x15: {  	[smem:$0x3FB5] =	sst s0;
	s0 =	simm.s32 @!p2 $0x0  }
0x16: {  	s3 =	sld [smem:$0x3FDB];
	s0 =	simm.s32 @p2 $0x1  }
0x17: {  	s4 =	simm.s32 $0x1BF5;
	[smem:$0x3FB7] =	sst s0  }
0x18: {  	s0 =	sld [smem:$0x3F9A];
	_ =	swait.ge [sflag:s4], $0x0  }
0x19: {  	s7 =	sld [smem:$0x3F9B]  }
0x1a: {  	s8 =	sadd.s32 $0xFFFFE003, lr  }
0x1b: {  	s9 =	sadd.s32 $0xFFFFFEF7, lr;
	s5 =	simm.s32 $0xFFFFFFFF;
	p2 =	slt.u32 s8, $0xFFFFF086  }
0x1c: {  	p1 =	slt.u32 s9, $0xF7A;
	s5 =	simm.s32 @!p2 $0x0  }
0x1d: {  	s5 =	simm.s32 @p1 $0x1;
	p0 =	seq.s32 s7, s2  }
0x1e: {  	s7 =	smul.u32 @!p0 $0xF7A, s2;
	p2 =	seq.s32 @!p0 s5, $0x0  }
0x1f: {  	s9 =	smul.u32 $0xF7A, s1;
	s8 =	simm.s32 @!p0 $0x1BF5;
	p2 =	por !p2, p0  }
0x20: {  	[sflag:s8] =	ssyncset.s32 @!p0 $0xFFFFF086;
	s6 =	sadd.s32 @!p0 s3, s7;
	s7 =	simm.s32 @!p0 $0x108  }
0x21: {  	s3 =	sadd.s32 s3, s9;
	s6 =	sadd.s32 @!p0 $0x88, s6;
	s7 =	simm.s32 @p2 $0x1082  }
0x22: {  	[simem:s7], [sflag:s8] =	dma.local @!p0 [hbm:s6], $0xF7A  }
0x23: {  	s9 =	sor.u32 $0xD0000000, s2;
	s6 =	simm.s32 $0x108;
	_ =	swait.ge @!p0 [sflag:s8], $0x0  }
0x24: {  	s3 =	sadd.s32 $0x88, s3;
	s6 =	simm.s32 @!p1 $0x1082;
	[sflag:s4] =	ssyncset.s32 $0xFFFFF086  }
0x25: {  	[simem:s6], [sflag:s4] =	dma.local [hbm:s3], $0xF7A  }
0x26: {  	[smem:$0x3F9B] =	sst s1;
	(tag) =	ssettag s2;
	_ =	strace s9  }
0x27: {  	s1 =	sld [smem:$0x3FAB]  }
0x28: {  	s2 =	sld [smem:$0x3FAC]  }
0x29: {  	s4 =	sld [smem:$0x3FAE]  }
0x2a: {  	p0 =	seq.s32 s5, $0x0;
	s5 =	sld [smem:$0x3FAF]  }
0x2b: {  	s6 =	sld [smem:$0x3FB0]  }
0x2c: {  	s7 =	sld [smem:$0x3FB1]  }
0x2d: {  	s3 =	simm.s32 $0x108;
	s8 =	sld [smem:$0x3FB2]  }
0x2e: {  	s3 =	simm.s32 @!p0 $0x1082;
	s9 =	sld [smem:$0x3FB3]  }
0x2f: {  	lr =	sadd.s32 s0, s3;
	s0 =	sld [smem:$0x3FAA]  }
0x30: {  	s3 =	sld [smem:$0x3FAD]  }
0x31: {  	[smem:$0x3FB6] =	sst s10  }
0x32: {  	s10 =	sld [smem:$0x3FB4];
	_ =	sdelay $0x3  }
0x33: {  	p0 =	seq.s32 s10, $0x1;
	s10 =	sld [smem:$0x3FB6];
	_ =	sdelay $0x3  }
0x34: {  	[smem:$0x3FB6] =	sst s10  }
0x35: {  	s10 =	sld [smem:$0x3FB5];
	_ =	sdelay $0x3  }
0x36: {  	p1 =	seq.s32 s10, $0x1;
	s10 =	sld [smem:$0x3FB6];
	_ =	sdelay $0x3  }
0x37: {  	[smem:$0x3FB6] =	sst s10  }
0x38: {  	s10 =	sld [smem:$0x3FB7]  }
0x39: {  	_ = 	snop;
	(pc) =	sbr.ind lr, $3  }
0x3a: {  	_ = 	snop  }
0x3b: {  	_ = 	snop  }
0x3c: {  	p2 =	seq.s32 s10, $0x1;
	s10 =	sld [smem:$0x3FB6]  }
0x3d: {  	_ =	shalt  }
0x3e: {  	_ =	shalt  }
0x3f: {  	_ =	shalt  }
0x40: {  	_ =	shalt  }
0x41: {  	_ =	shalt  }
0x42: {  	_ =	shalt  }
0x43: {  	_ =	shalt  }
0x44: {  	_ =	shalt  }
0x45: {  	_ =	shalt  }
0x46: {  	_ =	shalt  }
0x47: {  	_ =	shalt  }
0x48: {  	_ =	shalt  }
0x49: {  	_ =	shalt  }
0x4a: {  	_ =	shalt  }
0x4b: {  	_ =	shalt  }
0x4c: {  	_ =	shalt  }
0x4d: {  	_ =	shalt  }
0x4e: {  	_ =	shalt  }
0x4f: {  	_ =	shalt  }
0x50: {  	_ =	shalt  }
0x51: {  	_ =	shalt  }
0x52: {  	_ =	shalt  }
0x53: {  	_ =	shalt  }
0x54: {  	_ =	shalt  }
0x55: {  	_ =	shalt  }
0x56: {  	_ =	shalt  }
0x57: {  	_ =	shalt  }
0x58: {  	_ =	shalt  }
0x59: {  	_ =	shalt  }
0x5a: {  	_ =	shalt  }
0x5b: {  	_ =	shalt  }
0x5c: {  	_ =	shalt  }
0x5d: {  	_ =	shalt  }
0x5e: {  	_ =	shalt  }
0x5f: {  	_ =	shalt  }
0x60: {  	_ =	shalt  }
0x61: {  	_ =	shalt  }
0x62: {  	_ =	shalt  }
0x63: {  	_ =	shalt  }
0x64: {  	_ =	shalt  }
0x65: {  	_ =	shalt  }
0x66: {  	_ =	shalt  }
0x67: {  	_ =	shalt  }
0x68: {  	_ =	shalt  }
0x69: {  	_ =	shalt  }
0x6a: {  	_ =	shalt  }
0x6b: {  	_ =	shalt  }
0x6c: {  	_ =	shalt  }
0x6d: {  	_ =	shalt  }
0x6e: {  	_ =	shalt  }
0x6f: {  	_ =	shalt  }
0x70: {  	_ =	shalt  }
0x71: {  	_ =	shalt  }
0x72: {  	_ =	shalt  }
0x73: {  	_ =	shalt  }
0x74: {  	_ =	shalt  }
0x75: {  	_ =	shalt  }
0x76: {  	_ =	shalt  }
0x77: {  	_ =	shalt  }
0x78: {  	_ =	shalt  }
0x79: {  	_ =	shalt  }
0x7a: {  	_ =	shalt  }
0x7b: {  	_ =	shalt  }
0x7c: {  	_ =	shalt  }
0x7d: {  	_ =	shalt  }
0x7e: {  	_ =	shalt  }
0x7f: {  	_ =	shalt  }
0x80: {  	_ =	shalt  }
0x81: {  	_ =	shalt  }
0x82: {  	_ =	shalt  }
0x83: {  	_ =	shalt  }
0x84: {  	_ =	shalt  }
0x85: {  	_ =	shalt  }
0x86: {  	_ =	shalt  }
0x87: {  	_ =	shalt  }
.Lfunc_end0:
.L_simem_size_0:
called_computation_lowered:
.L_overlay_start_0:
0x88: {  	s2 =	sld [smem:$0x3FD9]  }
0x89: {  	s3 =	sld [smem:$0x3FFE];
	_ =	sdelay $0x1  }
0x8a: {  	s1 =	srdreg.scid  }
0x8b: {  	s0 =	sand.u32 $0x1, s1  }
0x8c: {  	s17 =	sshll.u32 s0, $0xA;
	s2 =	sadd.s32 s3, s2  }
0x8d: {  	s2 =	sadd.s32 s2, s17  }
0x8e: {  	[smem:$0x3FC2] =	sst s2  }
0x8f: {  	_ = 	snop  }
0x90: {  	s2 =	sld [smem:$0x3FC4];
	(tm) =	ssettm $0x1  }
0x91: {  	s18 =	sld [smem:$0x3FFB];
	_ =	sdelay $0x3  }
0x92: {  	_ =	strace s18  }
0x93: {  	s3 =	sld [smem:$0x3FFC];
	_ =	sdelay $0x3  }
0x94: {  	_ =	strace s3  }
0x95: {  	s3 =	sld [smem:$0x3FFD];
	_ =	sdelay $0x3  }
0x96: {  	_ =	strace s3  }
0x97: {  	_ =	strace $0x8FFFFFFF  }
0x98: {  	s19 =	sld [smem:$0x3FDB];
	_ =	sdelay $0x1  }
0x99: {  	s4 =	simm.s32 $_scs_section_size  }
0x9a: {  	s5 =	simm.s32 $_size__tile_overlayer_lowered;
	s6 =	simm.s32 $_tile_overlayer_lowered  }
0x9b: {  	s22 =	simm.s32 $0x1BFF;
	s21 =	sshll.u32 s6, $0x1;
	s3 =	sadd.s32 s4, s19  }
0x9c: {  	s7 =	simm.s32 $0x0;
	s20 =	sshll.u32 s5, $0x1;
	s5 =	sadd.s32 s21, s3  }
0x9d: {  	[timem:s7], [sflag:s22] =	dma.local [hbm:s5], s20  }
0x9e: {  	_ =	swait.ge [sflag:s22], s20  }
0x9f: {  	s4 =	ssub.s32 $0x0, s20;
	[sflag:s22] =	ssyncset.done $0x0  }
0xa0: {  	[sflag:s22] =	ssyncadd.s32 s4;
	_ =	sdelay $0x1  }
0xa1: {  	s23 =	simm.s32 $0x1B8B  }
0xa2: {  	_ =	swait.ge [sflag:s23], $0x1  }
0xa3: {  	[sflag:s23] =	ssyncset.done $0x0  }
0xa4: {  	s25 =	simm.s32 $0x1B8E;
	s24 =	sld [smem:$0x3FFE];
	[sflag:s23] =	ssyncadd.s32 $0xFFFFFFFF  }
0xa5: {  	s26 =	simm.s32 $execute0_lowered;
	[smem:$0x3FD2] =	sst s25  }
0xa6: {  	s5 =	sshll.u32 s26, $0x1;
	_ =	strace $0x80000046;
	[dreg:$0x1] =	wrdreg $0xFFFFFFFF  }
0xa7: {  	s28 =	simm.s32 $_size_execute0_lowered;
	s3 =	sadd.s32 s3, s5;
	[dreg:$0x0] =	wrdreg $0x0  }
0xa8: {  	s5 =	sshll.u32 s28, $0x1;
	[dreg:$0x2] =	wrdreg s3  }
0xa9: {  	[dreg:$0x3] =	wrdreg s5  }
0xaa: {  	[dreg:$0x4] =	wrdreg $0xC0  }
0xab: {  	_ =	task [dreg:s7], $0x5FFFF  }
0xac: {  	[dreg:$0x1] =	wrdreg $0xFFFFFFFF  }
0xad: {  	[dreg:$0x0] =	wrdreg $0x60  }
0xae: {  	[dreg:$0x2] =	wrdreg s24  }
0xaf: {  	[dreg:$0x3] =	wrdreg s2  }
0xb0: {  	[dreg:$0x4] =	wrdreg $0x15000  }
0xb1: {  	[dreg:$0x5] =	wrdreg $0x9  }
0xb2: {  	_ =	task.clear_ibuf [dreg:s7], $0x6FFFF;
	_ =	strace $0x90000046  }
0xb3: {  	s29 =	simm.s32 $0x9;
	_ =	strace $0x80000048  }
0xb4: {  	_ =	swait.ge [sflag:s29], $0x1  }
0xb5: {  	[sflag:s29] =	ssyncadd.s32 $0xFFFFFFFF  }
0xb6: {  	_ =	strace $0x90000048  }
0xb7: {  	_ =	sfence  }
0xb8: {  	s30 =	sld [smem:$0x0];
	_ =	sdelay $0x2  }
0xb9: {  	s31 =	sshll.u32 s1, $0xD;
	s1 =	sshrl.u32 s1, $0x2  }
0xba: {  	s3 =	sand.u32 $0x4000, s31;
	s1 =	sadd.s32 s1, s30  }
0xbb: {  	s0 =	sor.u32 s3, s0;
	s1 =	sshll.u32 s1, $0x11  }
0xbc: {  	s0 =	sor.u32 s1, s0  }
0xbd: {  	s0 =	sadd.s32 $0x8F2B, s0  }
0xbe: {  	[sflag:s0] =	ssyncadd.remote.s32 $0x1  }
0xbf: {  	_ =	sfence.sel $0xFFFF  }
0xc0: {  	[dreg:$0x0] =	wrdreg $0xFFFFFFFF;
	(pc) =	sbr.abs _section_cstart, $3  }
0xc1: {  	[dreg:$0x1] =	wrdreg $0xFFFFFFFF  }
0xc2: {  	_ =	task.clear_ibuf [dreg:s7], $0x2FFFF;
	_ =	strace $0x9FFFFFFF  }
0xc3: {  	(tm) =	ssettm $0x7FFFFFFF  }
tec
execute0_lowered:
.L_overlay_start_1:
0x0: {  	(tag) =	ssettag $0x1  }
0x1: {  	s4 =	rddreg [dreg:$0x0]  }
0x2: {  	s9 =	rddreg [dreg:$0x1];
	s1 =	srdreg.scid  }
0x3: {  	s0 =	stileid.u32;
	s2 =	rddreg [dreg:$0x2];
	s3 =	simm.s32 $0x0  }
0x4: {  	s14 =	simm.s32 $0x100;
	s15 =	simm.s32 $0x300;
	s16 =	simm.s32 $0x180  }
0x5: {  	s17 =	simm.s32 $0x200;
	s18 =	simm.s32 $0x10;
	s19 =	simm.s32 $0x280  }
0x6: {  	s5 =	sand.u32 $0x1, s1;
	s6 =	smul.u32 $0x1118, s0;
	s1 =	rddreg [dreg:$0x3]  }
0x7: {  	s20 =	simm.s32 $0x0;
	[smem:$0x7FF] =	sst s3;
	s12 =	smul.u32 $0x2710, s0  }
0x8: {  	s10 =	sadd.s32 $0x1400, s4;
	s7 =	smul.u32 $0x11180, s5;
	s8 =	sshll.u32 s5, $0x4  }
0x9: {  	_ =	strace $0x80000047;
	s29 =	ssub.s32 $0x2, s5;
	s11 =	smul.u32 $0x27100, s5  }
0xa: {  	s8 =	sor.u32 s0, s8;
	s30 =	sshrl.u32 s29, $0x1;
	s7 =	sadd.s32 s6, s7  }
0xb: {  	s8 =	smul.u32 $0x2710, s8;
	s13 =	ssub.s32 s29, s30;
	s11 =	sadd.s32 s12, s11  }
0xc: {  	s12 =	simm.s32 $0x1;
	s7 =	sshrl.u32 s7, $0x3;
	s11 =	sshrl.u32 s11, $0x3  }
0xd: {  	s7 =	sadd.s32 s7, s4;
	s8 =	sshrl.u32 s8, $0x3;
	s4 =	sadd.s32 s6, s2  }
0xe: {  	s31 =	sadd.s32 $0x4E0, s8;
	s7 =	sadd.s32 $0xB200, s7;
	s8 =	smax.u32 s13, $0x1  }
0xf: {  	s13 =	simm.s32 $0x80;
	s5 =	sadd.s32 s10, s31;
	s6 =	sadd.s32 s9, s31  }
0x10: {  	v0 =	vimm.f32 $0.0e+00;
	v1 =	vimm.f32 $1.000000000e+00;
	s9 =	sadd.s32 s11, s9;
	s10 =	sadd.s32 s11, s10;
	s11 =	simm.s32 $0x380  }
.LBB2_1:
0x11: {  	s21 =	simm.s32 $0x40;
	s22 =	simm.s32 $0x0  }
.LBB2_2:
0x12: {  	p0 =	sne.s32 s21, $0x4440;
	[tilespmem:s22+$0x380] =	vst v0;
	s22 =	smov.u32 s21;
	s21 =	sadd.s32 $0x40, s21  }
.Ltmp0:
0x13: {  	(pc) =	sbr.rel @p0 .LBB2_2-.Ltmp0, $2  }
0x14: {  	_ =	sdelay $0x2  }
0x15: {  	s22 =	sshra.s32 s22, $0x2  }
0x16: {  	[tilespmem:s22+$0x380] =	vst v0  }
0x17: {  	[tilespmem:$0x300] =	vst v1  }
0x18: {  	[tilespmem:$0x310] =	vst v1  }
0x19: {  	[tilespmem:$0x320] =	vst v1  }
0x1a: {  	[tilespmem:$0x330] =	vst v1  }
0x1b: {  	[tilespmem:$0x340] =	vst v1  }
0x1c: {  	[tilespmem:$0x350] =	vst v1  }
0x1d: {  	[tilespmem:$0x360] =	vst v1  }
0x1e: {  	[tilespmem:$0x370] =	vst v1  }
0x1f: {  	[spmem:s4] =	stream.linear.scatter [tilespmem:s11], [sflag:$0x1], $0x1118, $0x38;
	[tilespmem:$0x2618] =	vst v63  }
0x20: {  	_ =	swait.ge [sflag:s12], $0x1118  }
0x21: {  	[sflag:s12] =	ssyncset.done $0x0  }
0x22: {  	[sflag:s12] =	ssyncadd.s32 $0xFFFFEEE8  }
0x23: {  	s21 =	sadd.s32 $0x0, s10;
	[bflag:$0x0] =	sbarrier.arrive $0xFFFF  }
0x24: {  	[tilespmem:s3], [sflag:$0x1] =	stream.linear.gather [hbm4b:s21+s3], $0x80, $0x38;
	[tilespmem:$0x2618] =	vst v63  }
0x25: {  	_ =	swait.ge [sflag:s12], $0x80  }
0x26: {  	[sflag:s12] =	ssyncset.done $0x0  }
0x27: {  	s31 =	sadd.s32 $0x0, s9;
	[sflag:s12] =	ssyncadd.s32 $0xFFFFFF80  }
0x28: {  	[tilespmem:s13], [sflag:$0x1] =	stream.linear.gather [hbm4b:s31+s3], $0x80, $0x38;
	[tilespmem:$0x2618] =	vst v63  }
0x29: {  	_ =	swait.ge [sflag:s12], $0x80  }
0x2a: {  	[sflag:s12] =	ssyncset.done $0x0  }
0x2b: {  	[sflag:s12] =	ssyncadd.s32 $0xFFFFFF80  }
0x2c: {  	v2 =	vld [tilespmem:$0xD0]  }
0x2d: {  	v3 =	vld [tilespmem:$0x50]  }
0x2e: {  	v4 =	vld [tilespmem:$0xE0]  }
0x2f: {  	v5 =	vld [tilespmem:$0x90]  }
0x30: {  	v6 =	vld [tilespmem:$0xF0]  }
0x31: {  	v7 =	vld [tilespmem:$0xB0]  }
0x32: {  	v8 =	vld [tilespmem:$0x30]  }
0x33: {  	v9 =	vld [tilespmem:$0xA0]  }
0x34: {  	v10 =	vld [tilespmem:$0x20]  }
0x35: {  	v11 =	vld [tilespmem:$0x70]  }
0x36: {  	v12 =	vld [tilespmem:$0x10]  }
0x37: {  	v13 =	vld [tilespmem:$0x60];
	v3 =	vmul.u32 $0x7, v3  }
0x38: {  	v14 =	vld [tilespmem:$0x40];
	v8 =	vmul.u32 $0x7, v8  }
0x39: {  	v10 =	vmul.u32 $0x7, v10;
	v2 =	vadd.s32 v2, v3;
	v3 =	vld [tilespmem:$0x0]  }
0x3a: {  	v58 =	vld [tilespmem:$0xC0];
	v59 =	vmul.u32 $0x7, v11;
	[tilespmem:$0x150] =	vst v2;
	v2 =	vadd.s32 v7, v8  }
0x3b: {  	v60 =	vmul.u32 $0x7, v12;
	v9 =	vadd.s32 v9, v10;
	[tilespmem:$0x130] =	vst v2;
	v2 =	vld [tilespmem:$0x80]  }
0x3c: {  	v61 =	vmul.u32 $0x7, v13;
	v6 =	vadd.s32 v6, v59;
	[tilespmem:$0x120] =	vst v9  }
0x3d: {  	v62 =	vmul.u32 $0x7, v14;
	v5 =	vadd.s32 v5, v60;
	[tilespmem:$0x170] =	vst v6  }
0x3e: {  	v4 =	vadd.s32 v4, v61;
	[tilespmem:$0x110] =	vst v5;
	v3 =	vmul.u32 $0x7, v3  }
0x3f: {  	v63 =	vadd.s32 v58, v62;
	[tilespmem:$0x160] =	vst v4  }
0x40: {  	s22 =	simm.s32 $0x20;
	s21 =	simm.s32 $0x10;
	[tilespmem:$0x140] =	vst v63;
	v2 =	vadd.s32 v2, v3  }
.LBB2_4:
0x41: {  	p0 =	sne.s32 s22, $0x4D0;
	[tilespmem:$0x100] =	vst v2;
	s23 =	smov.u32 s22;
	s22 =	sadd.s32 $0x10, s22  }
0x42: {  	[spmem:s2] =	stream.indirect.scatter.add.f32 [tilespmem:s15], [sflag:$0x1], $0x1, s14, s13, $0xb8;
	[tilespmem:$0x2618] =	vst v63  }
0x43: {  	_ =	swait.ge [sflag:s12], $0x80  }
0x44: {  	[sflag:s12] =	ssyncset.done $0x0  }
0x45: {  	s24 =	sadd.s32 s21, s10;
	[sflag:s12] =	ssyncadd.s32 $0xFFFFFF80  }
0x46: {  	[tilespmem:s3], [sflag:$0x1] =	stream.linear.gather [hbm4b:s24+s3], $0x80, $0x38;
	[tilespmem:$0x2618] =	vst v63  }
0x47: {  	_ =	swait.ge [sflag:s12], $0x80  }
0x48: {  	[sflag:s12] =	ssyncset.done $0x0  }
0x49: {  	s24 =	sadd.s32 s21, s9;
	s21 =	smov.u32 s23;
	[sflag:s12] =	ssyncadd.s32 $0xFFFFFF80  }
0x4a: {  	[tilespmem:s13], [sflag:$0x1] =	stream.linear.gather [hbm4b:s24+s3], $0x80, $0x38;
	[tilespmem:$0x2618] =	vst v63  }
0x4b: {  	_ =	swait.ge [sflag:s12], $0x80  }
0x4c: {  	[sflag:s12] =	ssyncset.done $0x0  }
0x4d: {  	[sflag:s12] =	ssyncadd.s32 $0xFFFFFF80  }
0x4e: {  	v2 =	vld [tilespmem:$0xD0]  }
0x4f: {  	v3 =	vld [tilespmem:$0x50]  }
0x50: {  	v4 =	vld [tilespmem:$0xE0]  }
0x51: {  	v5 =	vld [tilespmem:$0x90]  }
0x52: {  	v6 =	vld [tilespmem:$0xF0]  }
0x53: {  	v7 =	vld [tilespmem:$0xB0]  }
0x54: {  	v8 =	vld [tilespmem:$0x30];
	v3 =	vmul.u32 $0x7, v3  }
0x55: {  	v9 =	vld [tilespmem:$0xA0]  }
0x56: {  	v10 =	vld [tilespmem:$0x20];
	v2 =	vadd.s32 v2, v3  }
0x57: {  	[tilespmem:$0x150] =	vst v2;
	v2 =	vld [tilespmem:$0x70]  }
0x58: {  	v3 =	vld [tilespmem:$0x10]  }
0x59: {  	v8 =	vmul.u32 $0x7, v8;
	v11 =	vld [tilespmem:$0x60]  }
0x5a: {  	v12 =	vld [tilespmem:$0x40]  }
0x5b: {  	v13 =	vld [tilespmem:$0x0];
	v10 =	vmul.u32 $0x7, v10;
	v7 =	vadd.s32 v7, v8  }
0x5c: {  	[tilespmem:$0x130] =	vst v7;
	v7 =	vld [tilespmem:$0xC0];
	v2 =	vmul.u32 $0x7, v2  }
0x5d: {  	v8 =	vld [tilespmem:$0x80];
	v3 =	vmul.u32 $0x7, v3;
	v9 =	vadd.s32 v9, v10  }
.Ltmp1:
0x5e: {  	[tilespmem:$0x120] =	vst v9;
	v9 =	vmul.u32 $0x7, v11;
	v2 =	vadd.s32 v6, v2;
	(pc) =	sbr.rel @p0 .LBB2_4-.Ltmp1, $4  }
0x5f: {  	v3 =	vadd.s32 v5, v3;
	v5 =	vmul.u32 $0x7, v12;
	[tilespmem:$0x170] =	vst v2  }
0x60: {  	v2 =	vmul.u32 $0x7, v13;
	[tilespmem:$0x110] =	vst v3;
	v3 =	vadd.s32 v4, v9  }
0x61: {  	v4 =	vadd.s32 v7, v5;
	[tilespmem:$0x160] =	vst v3  }
0x62: {  	v2 =	vadd.s32 v8, v2;
	[tilespmem:$0x140] =	vst v4  }
0x63: {  	[tilespmem:$0x100] =	vst v2  }
0x64: {  	[spmem:s2] =	stream.indirect.scatter.add.f32 [tilespmem:s15], [sflag:$0x1], $0x1, s14, s13, $0xb8;
	[tilespmem:$0x2618] =	vst v63  }
0x65: {  	_ =	swait.ge [sflag:s12], $0x80  }
0x66: {  	[sflag:s12] =	ssyncset.done $0x0  }
0x67: {  	s22 =	sadd.s32 s21, s10;
	[sflag:s12] =	ssyncadd.s32 $0xFFFFFF80  }
0x68: {  	[tilespmem:s3], [sflag:$0x1] =	stream.linear.gather [hbm4b:s22+s3], $0x80, $0x38;
	[tilespmem:$0x2618] =	vst v63  }
0x69: {  	_ =	swait.ge [sflag:s12], $0x80  }
0x6a: {  	[sflag:s12] =	ssyncset.done $0x0  }
0x6b: {  	s31 =	sadd.s32 s21, s9;
	[sflag:s12] =	ssyncadd.s32 $0xFFFFFF80  }
0x6c: {  	[tilespmem:s13], [sflag:$0x1] =	stream.linear.gather [hbm4b:s31+s3], $0x80, $0x38;
	[tilespmem:$0x2618] =	vst v63  }
0x6d: {  	_ =	swait.ge [sflag:s12], $0x80  }
0x6e: {  	[sflag:s12] =	ssyncset.done $0x0  }
0x6f: {  	[sflag:s12] =	ssyncadd.s32 $0xFFFFFF80  }
0x70: {  	v2 =	vld [tilespmem:$0xD0]  }
0x71: {  	v3 =	vld [tilespmem:$0x50]  }
0x72: {  	v4 =	vld [tilespmem:$0xE0]  }
0x73: {  	v5 =	vld [tilespmem:$0x90]  }
0x74: {  	v6 =	vld [tilespmem:$0xF0]  }
0x75: {  	v7 =	vld [tilespmem:$0xB0]  }
0x76: {  	v8 =	vld [tilespmem:$0x30]  }
0x77: {  	v9 =	vld [tilespmem:$0xA0]  }
0x78: {  	v10 =	vld [tilespmem:$0x20]  }
0x79: {  	v11 =	vld [tilespmem:$0x70]  }
0x7a: {  	v12 =	vld [tilespmem:$0x10]  }
0x7b: {  	v13 =	vld [tilespmem:$0x60];
	v3 =	vmul.u32 $0x7, v3  }
0x7c: {  	v14 =	vld [tilespmem:$0x40];
	v8 =	vmul.u32 $0x7, v8  }
0x7d: {  	v10 =	vmul.u32 $0x7, v10;
	v2 =	vadd.s32 v2, v3;
	v3 =	vld [tilespmem:$0x0]  }
0x7e: {  	v58 =	vld [tilespmem:$0xC0];
	v59 =	vmul.u32 $0x7, v11;
	[tilespmem:$0x150] =	vst v2;
	v2 =	vadd.s32 v7, v8  }
0x7f: {  	v60 =	vmul.u32 $0x7, v12;
	v9 =	vadd.s32 v9, v10;
	[tilespmem:$0x130] =	vst v2;
	v2 =	vld [tilespmem:$0x80]  }
0x80: {  	v61 =	vmul.u32 $0x7, v13;
	v6 =	vadd.s32 v6, v59;
	[tilespmem:$0x120] =	vst v9  }
0x81: {  	v62 =	vmul.u32 $0x7, v14;
	v5 =	vadd.s32 v5, v60;
	[tilespmem:$0x170] =	vst v6  }
0x82: {  	v4 =	vadd.s32 v4, v61;
	[tilespmem:$0x110] =	vst v5;
	v3 =	vmul.u32 $0x7, v3  }
0x83: {  	v63 =	vadd.s32 v58, v62;
	[tilespmem:$0x160] =	vst v4  }
0x84: {  	[tilespmem:$0x140] =	vst v63;
	v2 =	vadd.s32 v2, v3  }
0x85: {  	[tilespmem:$0x100] =	vst v2  }
0x86: {  	[spmem:s2] =	stream.indirect.scatter.add.f32 [tilespmem:s15], [sflag:$0x1], $0x1, s14, s13, $0xb8;
	[tilespmem:$0x2618] =	vst v63  }
0x87: {  	_ =	swait.ge [sflag:s12], $0x80  }
0x88: {  	[sflag:s12] =	ssyncset.done $0x0  }
0x89: {  	[sflag:s12] =	ssyncadd.s32 $0xFFFFFF80  }
0x8a: {  	[tilespmem:s16], [sflag:$0x1] =	stream.linear.gather [hbm4b:s5+s3], $0x10, $0x38;
	[tilespmem:$0x2618] =	vst v63  }
0x8b: {  	_ =	swait.ge [sflag:s12], $0x10  }
0x8c: {  	[sflag:s12] =	ssyncset.done $0x0  }
0x8d: {  	[sflag:s12] =	ssyncadd.s32 $0xFFFFFFF0  }
0x8e: {  	[tilespmem:s17], [sflag:$0x1] =	stream.linear.gather [hbm4b:s6+s3], $0x10, $0x38;
	[tilespmem:$0x2618] =	vst v63  }
0x8f: {  	_ =	swait.ge [sflag:s12], $0x10  }
0x90: {  	[sflag:s12] =	ssyncset.done $0x0  }
0x91: {  	[sflag:s12] =	ssyncadd.s32 $0xFFFFFFF0  }
0x92: {  	v2 =	vld [tilespmem:$0x180];
	_ =	sdelay $0x1  }
0x93: {  	v3 =	vld [tilespmem:$0x200];
	_ =	sdelay $0x2  }
0x94: {  	v2 =	vmul.u32 $0x7, v2;
	_ =	sdelay $0x1  }
0x95: {  	v2 =	vadd.s32 v3, v2  }
0x96: {  	[tilespmem:$0x280] =	vst v2  }
0x97: {  	[spmem:s2] =	stream.indirect.scatter.add.f32 [tilespmem:s15], [sflag:$0x1], $0x1, s19, s18, $0xb8;
	[tilespmem:$0x2618] =	vst v63  }
0x98: {  	_ =	swait.ge [sflag:s12], $0x10  }
0x99: {  	[sflag:s12] =	ssyncset.done $0x0  }
0x9a: {  	[sflag:s12] =	ssyncadd.s32 $0xFFFFFFF0  }
0x9b: {  	[bflag:$0x0] =	sbarrier.arrive $0xFFFF  }
0x9c: {  	[tilespmem:s11], [sflag:$0x1] =	stream.linear.gather [spmem:s4], $0x1118, $0x38;
	[tilespmem:$0x2618] =	vst v63  }
0x9d: {  	s20 =	sadd.s32 $0x1, s20;
	_ =	swait.ge [sflag:s12], $0x1118  }
0x9e: {  	p0 =	sne.s32 s20, s8;
	[sflag:s12] =	ssyncset.done $0x0  }
.Ltmp2:
0x9f: {  	[sflag:s12] =	ssyncadd.s32 $0xFFFFEEE8;
	(pc) =	sbr.rel @p0 .LBB2_1-.Ltmp2, $4  }
0xa0: {  	[hbm4b:s7+s3] =	stream.linear.scatter [tilespmem:s11], [sflag:$0x1], $0x1118, $0x38;
	[tilespmem:$0x2618] =	vst v63  }
0xa1: {  	_ =	swait.ge [sflag:s12], $0x1118  }
0xa2: {  	[sflag:s12] =	ssyncset.done $0x0  }
0xa3: {  	[sflag:s12] =	ssyncadd.s32 $0xFFFFEEE8  }
0xa4: {  	_ =	sfence.sel $0x180000  }
0xa5: {  	[bflag:$0x0] =	sbarrier.arrive $0xFFFF  }
0xa6: {  	p0 =	sne.s32 s0, $0x0;
	_ =	strace $0x90000047  }
0xa7: {  	s0 =	sadd.s32 @!p0 $0x100000, s1;
	[bflag:$0x2] =	sbarrier.arrive $0xFFFF  }
0xa8: {  	[sflag:s0] =	ssyncadd.tile.s32 @!p0 $0x1;
	_ =	shalt  }
.Lfunc_end2:
_tile_overlayer_lowered:
.L_overlay_start_2:
0xa9: {  	(tag) =	ssettag $0x2  }
0xaa: {  	s0 =	rddreg [dreg:$0x0];
	s2 =	stileid.u32  }
0xab: {  	s1 =	rddreg [dreg:$0x1];
	p0 =	sne.s32 s2, $0x0  }
0xac: {  	s3 =	rddreg [dreg:$0x2];
	[bflag:$0x3] =	sbarrier.arrive $0xFFFF;
	s2 =	simm.s32 @!p0 $0x1C01  }
0xad: {  	[timem:s3], [sflag:s2] =	dma.local @!p0 [hbm:s0], s1  }
0xae: {  	s0 =	simm.s32 @!p0 $0x1  }
0xaf: {  	_ =	swait.ge @!p0 [sflag:s0], s1  }
0xb0: {  	s1 =	ssub.s32 @!p0 $0x0, s1;
	[sflag:s0] =	ssyncset.done @!p0 $0x0  }
0xb1: {  	[sflag:s0] =	ssyncadd.s32 @!p0 s1  }
0xb2: {  	[bflag:$0x3] =	sbarrier.arrive $0xFFFF  }
0xb3: {  	_ =	shalt  }

</sc_bundles>
